<compile_context>
chip_gen: v7x
topology: tpu7x:2x2x1
jax: 0.10.2.dev20260603
libtpu: 0.0.44.dev20260713+nightly
codegen_flags: <defaults>
</compile_context>

<pallas_src>
import functools

import jax
import jax.numpy as jnp
from jax import lax
from jax.experimental import pallas as pl
from jax.experimental.pallas import tpu as pltpu
from jax.experimental.pallas import tpu_sc as plsc

N, E, D, DE = 10000, 160000, 256, 16
NP = 10240
EP = 163840
MW = 384
BN = 400
BE = 640
GCH = 128
SCH = 80
WCH = 40
EPW_G = EP // 16
EPW_S = E // 16

_mesh = plsc.VectorSubcoreMesh(core_axis_name="c", subcore_axis_name="s")
_sc_params = pltpu.CompilerParams(needs_layout_passes=False)


def _pack_bf16(v):
    u = lax.bitcast_convert_type(v.astype(jnp.bfloat16),
                                 jnp.uint16).astype(jnp.int32)
    return (u[:, 128:256] << 16) | u[:, 0:128]


def _unpack_bf16(words):
    lo = lax.bitcast_convert_type(words << 16, jnp.float32)
    hi = lax.bitcast_convert_type(words & jnp.int32(-65536), jnp.float32)
    return jnp.concatenate([lo, hi], axis=-1)


def _gelu(v):
    return 0.5 * v * (1.0 + lax.erf(v * 0.7071067811865476))


def _node_body(x_ref, aux_ref, wt1t_ref, wqt_ref, wk_ref, t_ref, qk_ref, bkq_ref):
    x = x_ref[...]
    ln_g = aux_ref[0:1, :]
    ln_b = aux_ref[1:2, :]
    bq = aux_ref[2:3, :]
    bk = aux_ref[3:4, :]
    mu = jnp.mean(x, axis=1, keepdims=True)
    xc = x - mu
    var = jnp.mean(xc * xc, axis=1, keepdims=True)
    xn = xc * lax.rsqrt(var + 1e-5) * ln_g + ln_b
    t = jnp.dot(xn, wt1t_ref[...], preferred_element_type=jnp.float32)
    q = jnp.dot(xn, wqt_ref[...], preferred_element_type=jnp.float32) + bq
    qk = jnp.dot(q, wk_ref[...], preferred_element_type=jnp.float32)
    t_ref[...] = _pack_bf16(t)
    qk_ref[...] = _pack_bf16(qk)
    bkq_ref[...] = jnp.broadcast_to(jnp.sum(q * bk, axis=1, keepdims=True),
                                    (BN, 128))


def _node_stage(x, aux, wt1t, wqt, wk):
    return pl.pallas_call(
        _node_body,
        grid=(N // BN,),
        in_specs=[
            pl.BlockSpec((BN, D), lambda i: (i, 0)),
            pl.BlockSpec((8, D), lambda i: (0, 0)),
            pl.BlockSpec((D, D), lambda i: (0, 0)),
            pl.BlockSpec((D, D), lambda i: (0, 0)),
            pl.BlockSpec((D, D), lambda i: (0, 0)),
        ],
        out_specs=[
            pl.BlockSpec((BN, 128), lambda i: (i, 0)),
            pl.BlockSpec((BN, 128), lambda i: (i, 0)),
            pl.BlockSpec((BN, 128), lambda i: (i, 0)),
        ],
        out_shape=[
            jax.ShapeDtypeStruct((N, 128), jnp.int32),
            jax.ShapeDtypeStruct((N, 128), jnp.int32),
            jax.ShapeDtypeStruct((N, 128), jnp.float32),
        ],
    )(x, aux, wt1t, wqt, wk)


@functools.partial(
    pl.kernel,
    mesh=_mesh,
    out_type=[
        jax.ShapeDtypeStruct((EP, 128), jnp.int32),
        jax.ShapeDtypeStruct((EP, 128), jnp.int32),
        jax.ShapeDtypeStruct((EP,), jnp.float32),
    ],
    scratch_types=[
        pltpu.VMEM((EPW_G,), jnp.int32),
        pltpu.VMEM((GCH, 128), jnp.int32),
        pltpu.VMEM((GCH, 128), jnp.int32),
        pltpu.VMEM((GCH,), jnp.float32),
        pltpu.VMEM((GCH,), jnp.float32),
        pltpu.VMEM((N,), jnp.float32),
        pltpu.SemaphoreType.DMA,
        pltpu.SemaphoreType.DMA,
        pltpu.SemaphoreType.DMA,
        pltpu.SemaphoreType.DMA,
    ],
    compiler_params=_sc_params,
)
def _gather_stage(tnode_hbm, qk_hbm, bkq_hbm, src_hbm, dst_hbm,
                  ts_hbm, qd_hbm, bkqd_hbm,
                  idx_all, r0, r1, bko0, bko1, bkq_v,
                  gs0, gs1, ws0, ws1):
    c = lax.axis_index("c")
    s = lax.axis_index("s")
    e0 = s * EPW_G
    G = EPW_G // GCH
    rows = (r0, r1)
    bkos = (bko0, bko1)
    gss = (gs0, gs1)
    wss = (ws0, ws1)

    def run(table_hbm, out_hbm, with_bkq):
        def start_gather(g, a):
            pltpu.async_copy(table_hbm.at[idx_all.at[pl.ds(g * GCH, GCH)]],
                             rows[a], gss[a])

        def wait_gather(a):
            pltpu.make_async_copy(out_hbm.at[pl.ds(0, GCH)], rows[a],
                                  gss[a]).wait()

        def wait_wb(a):
            pltpu.make_async_copy(out_hbm.at[pl.ds(0, GCH)], rows[a],
                                  wss[a]).wait()
            if with_bkq:
                pltpu.make_async_copy(bkqd_hbm.at[pl.ds(0, GCH)], bkos[a],
                                      wss[a]).wait()

        start_gather(0, 0)

        def substep(g, a, gate_ws, gate_next):
            b = 1 - a
            wait_gather(a)
            off = g * GCH
            if with_bkq:
                for j in range(GCH // 16):
                    i16 = idx_all[pl.ds(off + j * 16, 16)]
                    bkos[a][pl.ds(j * 16, 16)] = plsc.load_gather(bkq_v, [i16])
            if gate_ws is None:
                wait_wb(b)
            else:
                @pl.when(gate_ws)
                def _():
                    wait_wb(b)
            if gate_next is None:
                start_gather(g + 1, b)
            else:
                @pl.when(gate_next)
                def _():
                    start_gather(g + 1, b)
            pltpu.async_copy(rows[a], out_hbm.at[pl.ds(e0 + off, GCH)], wss[a])
            if with_bkq:
                pltpu.async_copy(bkos[a], bkqd_hbm.at[pl.ds(e0 + off, GCH)],
                                 wss[a])

        def body(h, carry):
            substep(2 * h, 0, h > 0, None)
            substep(2 * h + 1, 1, None, h < G // 2 - 1)
            return carry

        lax.fori_loop(0, G // 2, body, 0)
        wait_wb(1)

    @pl.when(c == 0)
    def _():
        pltpu.sync_copy(src_hbm.at[pl.ds(e0, EPW_G)], idx_all)
        run(tnode_hbm, ts_hbm, False)

    @pl.when(c == 1)
    def _():
        pltpu.sync_copy(dst_hbm.at[pl.ds(e0, EPW_G)], idx_all)
        pltpu.sync_copy(bkq_hbm, bkq_v)
        run(qk_hbm, qd_hbm, True)


def _edge_body(ts_ref, qd_ref, et2_ref, evt_ref, wt2t_ref, aux_ref, m_ref):
    bt = aux_ref[4:5, :]
    evw = lax.dot_general(evt_ref[...], wt2t_ref[...],
                          (((0,), (0,)), ((), ())),
                          preferred_element_type=jnp.float32)
    ts = _unpack_bf16(ts_ref[...])
    qd = _unpack_bf16(qd_ref[...])
    x_t = _gelu(ts + evw + bt)
    att = (jnp.sum(x_t * qd, axis=1, keepdims=True)
           * et2_ref[:, 0:1]) + et2_ref[:, 1:2]
    w = jnp.exp(att)
    m_ref[:, 0:D] = x_t * w
    col = lax.broadcasted_iota(jnp.int32, (BE, MW - D), 1)
    m_ref[:, D:MW] = jnp.where(col == 0, w, 0.0)


def _edge_stage(t_src, qk_dst, et2, evt, wt2t, aux):
    return pl.pallas_call(
        _edge_body,
        grid=(E // BE,),
        in_specs=[
            pl.BlockSpec((BE, 128), lambda i: (i, 0)),
            pl.BlockSpec((BE, 128), lambda i: (i, 0)),
            pl.BlockSpec((BE, 2), lambda i: (i, 0)),
            pl.BlockSpec((DE, BE), lambda i: (0, i)),
            pl.BlockSpec((DE, D), lambda i: (0, 0)),
            pl.BlockSpec((8, D), lambda i: (0, 0)),
        ],
        out_specs=pl.BlockSpec((BE, MW), lambda i: (i, 0)),
        out_shape=jax.ShapeDtypeStruct((E, MW), jnp.float32),
    )(t_src, qk_dst, et2, evt, wt2t, aux)


@functools.partial(
    pl.kernel,
    mesh=_mesh,
    out_type=jax.ShapeDtypeStruct((NP, D), jnp.float32),
    scratch_types=[
        pltpu.VMEM_SHARED((NP, D // 2), jnp.float32),
        pltpu.VMEM((EPW_S,), jnp.int32),
        pltpu.VMEM((SCH, D // 2), jnp.float32),
        pltpu.VMEM((SCH, D // 2), jnp.float32),
        pltpu.VMEM((SCH,), jnp.int32),
        pltpu.VMEM((SCH,), jnp.int32),
        pltpu.SemaphoreType.DMA,
        pltpu.SemaphoreType.DMA,
    ],
    compiler_params=_sc_params,
)
def _scatter_stage(m_hbm, dst_hbm, zu_hbm, u_hbm, u_sh, di_all,
                   buf0, buf1, idx0, idx1, ms0, ms1):
    c = lax.axis_index("c")
    s = lax.axis_index("s")
    half = D // 2
    e0 = s * EPW_S
    G = EPW_S // SCH
    bufs = (buf0, buf1)
    idxs = (idx0, idx1)
    mss = (ms0, ms1)

    @pl.when(s == 0)
    def _():
        pltpu.sync_copy(zu_hbm, u_sh)

    pltpu.sync_copy(dst_hbm.at[pl.ds(e0, EPW_S)], di_all)
    plsc.subcore_barrier()

    def start_read(g, a):
        pltpu.async_copy(
            m_hbm.at[pl.ds(e0 + g * SCH, SCH), pl.ds(c * half, half)],
            bufs[a], mss[a])

    def wait_read(a):
        pltpu.make_async_copy(
            m_hbm.at[pl.ds(0, SCH), pl.ds(0, half)], bufs[a], mss[a]).wait()

    def build_idx(g, a):
        off = g * SCH
        for j in range(SCH // 16):
            idxs[a][pl.ds(j * 16, 16)] = di_all[pl.ds(off + j * 16, 16)]

    start_read(0, 0)
    build_idx(0, 0)

    def substep(g, a, start_next):
        b = 1 - a
        if start_next:
            start_read(g + 1, b)
            build_idx(g + 1, b)
        wait_read(a)
        pltpu.sync_copy(bufs[a], u_sh.at[idxs[a]], add=True)

    def body(h, carry):
        substep(2 * h, 0, True)
        substep(2 * h + 1, 1, True)
        return carry

    lax.fori_loop(0, G // 2, body, 0)
    substep(G - 1, 0, False)
    plsc.subcore_barrier()

    rows = NP // 16
    r0 = s * rows
    pltpu.sync_copy(u_sh.at[pl.ds(r0, rows)],
                    u_hbm.at[pl.ds(r0, rows), pl.ds(c * half, half)])


@functools.partial(
    pl.kernel,
    mesh=_mesh,
    out_type=jax.ShapeDtypeStruct((NP, D), jnp.float32),
    scratch_types=[
        pltpu.VMEM_SHARED((NP, 128), jnp.float32),
        pltpu.VMEM((WCH, 128), jnp.float32),
        pltpu.VMEM((WCH, 128), jnp.float32),
        pltpu.VMEM((WCH,), jnp.int32),
        pltpu.VMEM((WCH,), jnp.int32),
        pltpu.SemaphoreType.DMA,
        pltpu.SemaphoreType.DMA,
    ],
    compiler_params=_sc_params,
)
def _denom_stage(m_hbm, dst_hbm, zu_hbm, den_hbm, wtab_sh,
                 buf0, buf1, idx0, idx1, ms0, ms1):
    c = lax.axis_index("c")
    s = lax.axis_index("s")
    e0 = (c * 16 + s) * (E // 32)
    G = (E // 32) // WCH
    bufs = (buf0, buf1)
    idxs = (idx0, idx1)
    mss = (ms0, ms1)

    @pl.when(s == 0)
    def _():
        pltpu.sync_copy(zu_hbm, wtab_sh)

    plsc.subcore_barrier()

    def start_read(g, a):
        base = e0 + g * WCH
        pltpu.async_copy(m_hbm.at[pl.ds(base, WCH), pl.ds(D, 128)],
                         bufs[a], mss[a])
        pltpu.async_copy(dst_hbm.at[pl.ds(base, WCH)], idxs[a], mss[a])

    def wait_read(a):
        pltpu.make_async_copy(m_hbm.at[pl.ds(0, WCH), pl.ds(0, 128)],
                              bufs[a], mss[a]).wait()
        pltpu.make_async_copy(dst_hbm.at[pl.ds(0, WCH)], idxs[a],
                              mss[a]).wait()

    start_read(0, 0)

    def substep(g, a, start_next):
        if start_next:
            start_read(g + 1, 1 - a)
        wait_read(a)
        pltpu.sync_copy(bufs[a], wtab_sh.at[idxs[a]], add=True)

    def body(h, carry):
        substep(2 * h, 0, True)
        substep(2 * h + 1, 1, True)
        return carry

    lax.fori_loop(0, G // 2, body, 0)
    substep(G - 1, 0, False)
    plsc.subcore_barrier()

    rows = NP // 16
    r0 = s * rows
    pltpu.sync_copy(wtab_sh.at[pl.ds(r0, rows)],
                    den_hbm.at[pl.ds(r0, rows), pl.ds(c * 128, 128)])


def _final_body(x_ref, u_ref, den_ref, wvt_ref, aux_ref, out_ref):
    bv = aux_ref[5:6, :]
    den = den_ref[:, 0:1] + den_ref[:, 128:129]
    inv = 1.0 / (den + 1e-16)
    aggr = jnp.dot(u_ref[...] * inv, wvt_ref[...],
                   preferred_element_type=jnp.float32) + bv * (den * inv)
    out_ref[...] = x_ref[...] + _gelu(aggr)


def _final_stage(x, u, den, wvt, aux):
    return pl.pallas_call(
        _final_body,
        grid=(N // 400,),
        in_specs=[
            pl.BlockSpec((400, D), lambda i: (i, 0)),
            pl.BlockSpec((400, D), lambda i: (i, 0)),
            pl.BlockSpec((400, D), lambda i: (i, 0)),
            pl.BlockSpec((D, D), lambda i: (0, 0)),
            pl.BlockSpec((8, D), lambda i: (0, 0)),
        ],
        out_specs=pl.BlockSpec((400, D), lambda i: (i, 0)),
        out_shape=jax.ShapeDtypeStruct((N, D), jnp.float32),
    )(x, u, den, wvt, aux)


def kernel(x, edge_index, edge_type, edge_vector, Wt, bt, Wk, bk, Wq, bq,
           Wv, bv, ln_g, ln_b):
    f32 = jnp.float32
    src = edge_index[0]
    dst = edge_index[1]
    pad_idx = jnp.zeros((EP - E,), jnp.int32)
    srcp = jnp.concatenate([src, pad_idx])
    dstp = jnp.concatenate([dst, pad_idx])

    zero = jnp.zeros((D,), f32)
    aux = jnp.stack([ln_g, ln_b, bq, bk, bt, bv, zero, zero])
    wt1t = Wt[:, :D].T
    wt2t = Wt[:, D:].T

    t_node, qk, bkq128 = _node_stage(x, aux, wt1t, Wq.T, Wk)
    t_src, qk_dst, bkq_dst = _gather_stage(t_node, qk, bkq128[:, 0],
                                           srcp, dstp)
    et_flat = edge_type.reshape(E) * 0.0625
    et2 = jnp.stack([et_flat, bkq_dst[:E] * et_flat], axis=1)
    m = _edge_stage(t_src, qk_dst, et2, edge_vector.T, wt2t, aux)
    zu = jnp.zeros((NP, 128), f32)
    u = _scatter_stage(m, dst, zu)
    den = _denom_stage(m, dst, zu)
    return _final_stage(x, u[:N], den[:N], Wv.T, aux)

# --- scband reference (transcript-rebuilt; emitter-appended) ---
"""Pipeline reference for scband-general-conv-layer-19396072308779 (READ-ONLY COPY).

The authoritative reference and input builder live on the scoring server;
editing this copy changes nothing except your own understanding.
"""

import jax, jax.numpy as jnp
import numpy as np

N, E, D, DE = 10000, 160000, 256, 16


def _linear_params(key, out_f, in_f):
    k1, k2 = jax.random.split(key)
    s = 1.0 / np.sqrt(in_f)
    W = jax.random.uniform(k1, (out_f, in_f), jnp.float32, -s, s)
    b = jax.random.uniform(k2, (out_f,), jnp.float32, -s, s)
    return W, b


def setup_inputs(seed: int = 0) -> dict:
    key = jax.random.key(seed)
    ks = jax.random.split(key, 10)
    x = jax.random.normal(ks[0], (N, D), jnp.float32)
    edge_index = jax.random.randint(ks[1], (2, E), 0, N, jnp.int32)
    edge_type = jax.random.uniform(ks[2], (E, 1), jnp.float32)
    edge_vector = jax.random.normal(ks[3], (E, DE), jnp.float32)
    Wt, bt = _linear_params(ks[4], D, D + DE)
    Wk, bk = _linear_params(ks[5], D, D)
    Wq, bq = _linear_params(ks[6], D, D)
    Wv, bv = _linear_params(ks[7], D, D)
    ln_g = jnp.ones((D,), jnp.float32)
    ln_b = jnp.zeros((D,), jnp.float32)
    return {"x": x, "edge_index": edge_index, "edge_type": edge_type,
            "edge_vector": edge_vector, "Wt": Wt, "bt": bt, "Wk": Wk, "bk": bk,
            "Wq": Wq, "bq": bq, "Wv": Wv, "bv": bv, "ln_g": ln_g, "ln_b": ln_b}


def reference(x, edge_index, edge_type, edge_vector, Wt, bt, Wk, bk, Wq, bq, Wv, bv, ln_g, ln_b):
    num_nodes = x.shape[0]
    residual = x
    mu = jnp.mean(x, axis=-1, keepdims=True)
    var = jnp.var(x, axis=-1, keepdims=True)
    xn = (x - mu) / jnp.sqrt(var + 1e-5) * ln_g + ln_b
    src = edge_index[0]
    dst = edge_index[1]
    x_j = jnp.take(xn, src, axis=0)
    x_i = jnp.take(xn, dst, axis=0)
    # head 0 (n_heads=1): per-head dim d_k//n_heads = 256, d_sqrt = 16
    x_j_transfer = jax.nn.gelu(jnp.concatenate([x_j, edge_vector], axis=1) @ Wt.T + bt, approximate=False)
    sender_k = x_j_transfer @ Wk.T + bk
    x_i_q = x_i @ Wq.T + bq
    attention = jnp.sum(sender_k * x_i_q, axis=1, keepdims=True)  # [E,1] (bmm of [E,1,d]x[E,d,1])
    attention = attention * edge_type.reshape(-1, 1)
    attention = attention / np.sqrt(256.0)
    # sparse softmax grouped by dst
    amax = jax.ops.segment_max(attention, dst, num_segments=num_nodes)
    amax = jnp.where(jnp.isfinite(amax), amax, 0.0)
    expd = jnp.exp(attention - jnp.take(amax, dst, axis=0))
    denom = jax.ops.segment_sum(expd, dst, num_segments=num_nodes)
    attn_norm = expd / (jnp.take(denom, dst, axis=0) + 1e-16)
    sender_v = x_j_transfer @ Wv.T + bv
    message = attn_norm * sender_v
    aggr = jax.ops.segment_sum(message, dst, num_segments=num_nodes)
    # update (dropout is identity in eval)
    return residual + jax.nn.gelu(aggr, approximate=False)

if __name__ == "__main__":
    import jax
    _d = setup_inputs()
    print(jax.jit(kernel)(*tuple(_d.values())))

</pallas_src>

<mosaic_0001>
#map = affine_map<(d0, d1) -> (0, 0)>
#map1 = affine_map<(d0, d1) -> (0)>
module attributes {stable_mosaic.version = 14 : i64} {
  func.func @_gather_stage(%arg0: i32, %arg1: i32, %arg2: memref<10000x128xi32, #tpu.memory_space<hbm>>, %arg3: memref<10000x128xi32, #tpu.memory_space<hbm>>, %arg4: memref<10000xf32, #tpu.memory_space<hbm>>, %arg5: memref<163840xi32, #tpu.memory_space<hbm>>, %arg6: memref<163840xi32, #tpu.memory_space<hbm>>, %arg7: memref<163840x128xi32, #tpu.memory_space<hbm>>, %arg8: memref<163840x128xi32, #tpu.memory_space<hbm>>, %arg9: memref<163840xf32, #tpu.memory_space<hbm>>, %arg10: memref<10240xi32, #tpu.memory_space<vmem>>, %arg11: memref<128x128xi32, #tpu.memory_space<vmem>>, %arg12: memref<128x128xi32, #tpu.memory_space<vmem>>, %arg13: memref<128xf32, #tpu.memory_space<vmem>>, %arg14: memref<128xf32, #tpu.memory_space<vmem>>, %arg15: memref<10000xf32, #tpu.memory_space<vmem>>, %arg16: memref<!tpu.dma_semaphore, #tpu.memory_space<semaphore_mem>>, %arg17: memref<!tpu.dma_semaphore, #tpu.memory_space<semaphore_mem>>, %arg18: memref<!tpu.dma_semaphore, #tpu.memory_space<semaphore_mem>>, %arg19: memref<!tpu.dma_semaphore, #tpu.memory_space<semaphore_mem>>) attributes {dimension_semantics = [#tpu.dimension_semantics<core_parallel>, #tpu.dimension_semantics<subcore_parallel>], iteration_bounds = array<i64: 2, 16>, scalar_prefetch = 0 : i64, scratch_operands = 10 : i64, tpu.core_type = #tpu.core_type<sc_vector_subcore>, window_params = [{transform_indices = #map}, {transform_indices = #map}, {transform_indices = #map1}, {transform_indices = #map1}, {transform_indices = #map1}, {transform_indices = #map}, {transform_indices = #map}, {transform_indices = #map1}]} {
    %mul3A = arith.constant 10240 : i32
    %mul3A_0 = arith.muli %arg1, %mul3A : i32
    %eq3A = arith.constant 0 : i32
    %eq3A_1 = arith.cmpi eq, %arg0, %eq3A : i32
    %convert_element_type3A = arith.extui %eq3A_1 : i1 to i32
    %cond3A = arith.constant 0 : i32
    %cond3A_2 = arith.cmpi ne, %convert_element_type3A, %cond3A : i32
    scf.if %cond3A_2 {
      "tpu.region"() ({
        %run_scoped3A = tpu.sem_alloc : memref<!tpu.dma_semaphore, #tpu.memory_space<semaphore_mem>>
        %dma_start3A_22 = tpu.memref_slice %arg5[%mul3A_0] : memref<163840xi32, #tpu.memory_space<hbm>> -> memref<10240xi32, #tpu.memory_space<hbm>>
        %dma_start3A_23 = tpu.memref_slice %arg5[%mul3A_0] : memref<163840xi32, #tpu.memory_space<hbm>> -> memref<10240xi32, #tpu.memory_space<hbm>>
        tpu.enqueue_dma source(%dma_start3A_23 : memref<10240xi32, #tpu.memory_space<hbm>>) target(%arg10 : memref<10240xi32, #tpu.memory_space<vmem>>) target_semaphore(%run_scoped3A : memref<!tpu.dma_semaphore, #tpu.memory_space<semaphore_mem>>)
        %dma_wait3A_24 = tpu.memref_slice %arg5[%mul3A_0] : memref<163840xi32, #tpu.memory_space<hbm>> -> memref<10240xi32, #tpu.memory_space<hbm>>
        %dma_wait3A_25 = tpu.memref_slice %arg5[%mul3A_0] : memref<163840xi32, #tpu.memory_space<hbm>> -> memref<10240xi32, #tpu.memory_space<hbm>>
        tpu.wait_dma2 semaphore(%run_scoped3A : memref<!tpu.dma_semaphore, #tpu.memory_space<semaphore_mem>>) src(%dma_wait3A_25 : memref<10240xi32, #tpu.memory_space<hbm>>) dst(%arg10 : memref<10240xi32, #tpu.memory_space<vmem>>)
        tpu.yield
      }) : () -> ()
      %dma_start3A = arith.constant 0 : i32
      %dma_start3A_8 = tpu.memref_slice %arg10[%dma_start3A] : memref<10240xi32, #tpu.memory_space<vmem>> -> memref<128xi32, #tpu.memory_space<vmem>>
      %dma_start3A_9 = arith.constant 0 : i32
      %dma_start3A_10 = arith.constant 0 : i32
      %dma_start3A_11 = tpu.memref_slice %arg2[%dma_start3A_9, %dma_start3A_10] : memref<10000x128xi32, #tpu.memory_space<hbm>> -> memref<10000x128xi32, #tpu.memory_space<hbm>>
      tpu.enqueue_indirect_dma source(%dma_start3A_11 : memref<10000x128xi32, #tpu.memory_space<hbm>>) target(%arg11 : memref<128x128xi32, #tpu.memory_space<vmem>>) offsets(%dma_start3A_8 : memref<128xi32, #tpu.memory_space<vmem>>) semaphore(%arg16 : memref<!tpu.dma_semaphore, #tpu.memory_space<semaphore_mem>>)
      %scan3A = arith.constant 0 : i32
      %scan3A_12 = arith.constant 0 : i32
      %scan3A_13 = arith.constant 40 : i32
      %scan3A_14 = arith.addi %scan3A_12, %scan3A_13 : i32
      %scan3A_15 = arith.constant 1 : i32
      scf.for %scan3A_22 = %scan3A_12 to %scan3A_14 step %scan3A_15  : i32 {
        %mul3A_23 = arith.constant 2 : i32
        %mul3A_24 = arith.muli %mul3A_23, %scan3A_22 : i32
        %gt3A = arith.constant 0 : i32
        %gt3A_25 = arith.cmpi sgt, %scan3A_22, %gt3A : i32
        %dma_wait3A_26 = arith.constant 0 : i32
        %dma_wait3A_27 = arith.constant 0 : i32
        %dma_wait3A_28 = tpu.memref_slice %arg7[%dma_wait3A_26, %dma_wait3A_27] : memref<163840x128xi32, #tpu.memory_space<hbm>> -> memref<128x128xi32, #tpu.memory_space<hbm>>
        %dma_wait3A_29 = arith.constant 0 : i32
        %dma_wait3A_30 = arith.constant 0 : i32
        %dma_wait3A_31 = tpu.memref_slice %arg7[%dma_wait3A_29, %dma_wait3A_30] : memref<163840x128xi32, #tpu.memory_space<hbm>> -> memref<128x128xi32, #tpu.memory_space<hbm>>
        tpu.wait_dma2 semaphore(%arg16 : memref<!tpu.dma_semaphore, #tpu.memory_space<semaphore_mem>>) src(%dma_wait3A_31 : memref<128x128xi32, #tpu.memory_space<hbm>>) dst(%arg11 : memref<128x128xi32, #tpu.memory_space<vmem>>)
        %mul3A_32 = arith.constant 128 : i32
        %mul3A_33 = arith.muli %mul3A_24, %mul3A_32 : i32
        %convert_element_type3A_34 = arith.extui %gt3A_25 : i1 to i32
        %cond3A_35 = arith.constant 0 : i32
        %cond3A_36 = arith.cmpi ne, %convert_element_type3A_34, %cond3A_35 : i32
        scf.if %cond3A_36 {
          %dma_wait3A_76 = arith.constant 0 : i32
          %dma_wait3A_77 = arith.constant 0 : i32
          %dma_wait3A_78 = tpu.memref_slice %arg7[%dma_wait3A_76, %dma_wait3A_77] : memref<163840x128xi32, #tpu.memory_space<hbm>> -> memref<128x128xi32, #tpu.memory_space<hbm>>
          %dma_wait3A_79 = arith.constant 0 : i32
          %dma_wait3A_80 = arith.constant 0 : i32
          %dma_wait3A_81 = tpu.memref_slice %arg7[%dma_wait3A_79, %dma_wait3A_80] : memref<163840x128xi32, #tpu.memory_space<hbm>> -> memref<128x128xi32, #tpu.memory_space<hbm>>
          tpu.wait_dma2 semaphore(%arg19 : memref<!tpu.dma_semaphore, #tpu.memory_space<semaphore_mem>>) src(%dma_wait3A_81 : memref<128x128xi32, #tpu.memory_space<hbm>>) dst(%arg12 : memref<128x128xi32, #tpu.memory_space<vmem>>)
        } else {
        }
        %add3A = arith.constant 1 : i32
        %add3A_37 = arith.addi %mul3A_24, %add3A : i32
        %mul3A_38 = arith.constant 128 : i32
        %mul3A_39 = arith.muli %add3A_37, %mul3A_38 : i32
        %dma_start3A_40 = tpu.memref_slice %arg10[%mul3A_39] : memref<10240xi32, #tpu.memory_space<vmem>> -> memref<128xi32, #tpu.memory_space<vmem>>
        %dma_start3A_41 = arith.constant 0 : i32
        %dma_start3A_42 = arith.constant 0 : i32
        %dma_start3A_43 = tpu.memref_slice %arg2[%dma_start3A_41, %dma_start3A_42] : memref<10000x128xi32, #tpu.memory_space<hbm>> -> memref<10000x128xi32, #tpu.memory_space<hbm>>
        tpu.enqueue_indirect_dma source(%dma_start3A_43 : memref<10000x128xi32, #tpu.memory_space<hbm>>) target(%arg12 : memref<128x128xi32, #tpu.memory_space<vmem>>) offsets(%dma_start3A_40 : memref<128xi32, #tpu.memory_space<vmem>>) semaphore(%arg17 : memref<!tpu.dma_semaphore, #tpu.memory_space<semaphore_mem>>)
        %add3A_44 = arith.addi %mul3A_0, %mul3A_33 : i32
        %dma_start3A_45 = arith.constant 0 : i32
        %dma_start3A_46 = tpu.memref_slice %arg7[%add3A_44, %dma_start3A_45] : memref<163840x128xi32, #tpu.memory_space<hbm>> -> memref<128x128xi32, #tpu.memory_space<hbm>>
        %dma_start3A_47 = arith.constant 0 : i32
        %dma_start3A_48 = tpu.memref_slice %arg7[%add3A_44, %dma_start3A_47] : memref<163840x128xi32, #tpu.memory_space<hbm>> -> memref<128x128xi32, #tpu.memory_space<hbm>>
        tpu.enqueue_dma source(%arg11 : memref<128x128xi32, #tpu.memory_space<vmem>>) target(%dma_start3A_48 : memref<128x128xi32, #tpu.memory_space<hbm>>) target_semaphore(%arg18 : memref<!tpu.dma_semaphore, #tpu.memory_space<semaphore_mem>>)
        %mul3A_49 = arith.constant 2 : i32
        %mul3A_50 = arith.muli %mul3A_49, %scan3A_22 : i32
        %add3A_51 = arith.constant 1 : i32
        %add3A_52 = arith.addi %mul3A_50, %add3A_51 : i32
        %lt3A = arith.constant 39 : i32
        %lt3A_53 = arith.cmpi slt, %scan3A_22, %lt3A : i32
        %dma_wait3A_54 = arith.constant 0 : i32
        %dma_wait3A_55 = arith.constant 0 : i32
        %dma_wait3A_56 = tpu.memref_slice %arg7[%dma_wait3A_54, %dma_wait3A_55] : memref<163840x128xi32, #tpu.memory_space<hbm>> -> memref<128x128xi32, #tpu.memory_space<hbm>>
        %dma_wait3A_57 = arith.constant 0 : i32
        %dma_wait3A_58 = arith.constant 0 : i32
        %dma_wait3A_59 = tpu.memref_slice %arg7[%dma_wait3A_57, %dma_wait3A_58] : memref<163840x128xi32, #tpu.memory_space<hbm>> -> memref<128x128xi32, #tpu.memory_space<hbm>>
        tpu.wait_dma2 semaphore(%arg17 : memref<!tpu.dma_semaphore, #tpu.memory_space<semaphore_mem>>) src(%dma_wait3A_59 : memref<128x128xi32, #tpu.memory_space<hbm>>) dst(%arg12 : memref<128x128xi32, #tpu.memory_space<vmem>>)
        %mul3A_60 = arith.constant 128 : i32
        %mul3A_61 = arith.muli %add3A_52, %mul3A_60 : i32
        %dma_wait3A_62 = arith.constant 0 : i32
        %dma_wait3A_63 = arith.constant 0 : i32
        %dma_wait3A_64 = tpu.memref_slice %arg7[%dma_wait3A_62, %dma_wait3A_63] : memref<163840x128xi32, #tpu.memory_space<hbm>> -> memref<128x128xi32, #tpu.memory_space<hbm>>
        %dma_wait3A_65 = arith.constant 0 : i32
        %dma_wait3A_66 = arith.constant 0 : i32
        %dma_wait3A_67 = tpu.memref_slice %arg7[%dma_wait3A_65, %dma_wait3A_66] : memref<163840x128xi32, #tpu.memory_space<hbm>> -> memref<128x128xi32, #tpu.memory_space<hbm>>
        tpu.wait_dma2 semaphore(%arg18 : memref<!tpu.dma_semaphore, #tpu.memory_space<semaphore_mem>>) src(%dma_wait3A_67 : memref<128x128xi32, #tpu.memory_space<hbm>>) dst(%arg11 : memref<128x128xi32, #tpu.memory_space<vmem>>)
        %convert_element_type3A_68 = arith.extui %lt3A_53 : i1 to i32
        %cond3A_69 = arith.constant 0 : i32
        %cond3A_70 = arith.cmpi ne, %convert_element_type3A_68, %cond3A_69 : i32
        scf.if %cond3A_70 {
          %add3A_76 = arith.constant 1 : i32
          %add3A_77 = arith.addi %add3A_52, %add3A_76 : i32
          %mul3A_78 = arith.constant 128 : i32
          %mul3A_79 = arith.muli %add3A_77, %mul3A_78 : i32
          %dma_start3A_80 = tpu.memref_slice %arg10[%mul3A_79] : memref<10240xi32, #tpu.memory_space<vmem>> -> memref<128xi32, #tpu.memory_space<vmem>>
          %dma_start3A_81 = arith.constant 0 : i32
          %dma_start3A_82 = arith.constant 0 : i32
          %dma_start3A_83 = tpu.memref_slice %arg2[%dma_start3A_81, %dma_start3A_82] : memref<10000x128xi32, #tpu.memory_space<hbm>> -> memref<10000x128xi32, #tpu.memory_space<hbm>>
          tpu.enqueue_indirect_dma source(%dma_start3A_83 : memref<10000x128xi32, #tpu.memory_space<hbm>>) target(%arg11 : memref<128x128xi32, #tpu.memory_space<vmem>>) offsets(%dma_start3A_80 : memref<128xi32, #tpu.memory_space<vmem>>) semaphore(%arg16 : memref<!tpu.dma_semaphore, #tpu.memory_space<semaphore_mem>>)
        } else {
        }
        %add3A_71 = arith.addi %mul3A_0, %mul3A_61 : i32
        %dma_start3A_72 = arith.constant 0 : i32
        %dma_start3A_73 = tpu.memref_slice %arg7[%add3A_71, %dma_start3A_72] : memref<163840x128xi32, #tpu.memory_space<hbm>> -> memref<128x128xi32, #tpu.memory_space<hbm>>
        %dma_start3A_74 = arith.constant 0 : i32
        %dma_start3A_75 = tpu.memref_slice %arg7[%add3A_71, %dma_start3A_74] : memref<163840x128xi32, #tpu.memory_space<hbm>> -> memref<128x128xi32, #tpu.memory_space<hbm>>
        tpu.enqueue_dma source(%arg12 : memref<128x128xi32, #tpu.memory_space<vmem>>) target(%dma_start3A_75 : memref<128x128xi32, #tpu.memory_space<hbm>>) target_semaphore(%arg19 : memref<!tpu.dma_semaphore, #tpu.memory_space<semaphore_mem>>)
      }
      %scan3A_16 = arith.constant 40 : i32
      %dma_wait3A = arith.constant 0 : i32
      %dma_wait3A_17 = arith.constant 0 : i32
      %dma_wait3A_18 = tpu.memref_slice %arg7[%dma_wait3A, %dma_wait3A_17] : memref<163840x128xi32, #tpu.memory_space<hbm>> -> memref<128x128xi32, #tpu.memory_space<hbm>>
      %dma_wait3A_19 = arith.constant 0 : i32
      %dma_wait3A_20 = arith.constant 0 : i32
      %dma_wait3A_21 = tpu.memref_slice %arg7[%dma_wait3A_19, %dma_wait3A_20] : memref<163840x128xi32, #tpu.memory_space<hbm>> -> memref<128x128xi32, #tpu.memory_space<hbm>>
      tpu.wait_dma2 semaphore(%arg19 : memref<!tpu.dma_semaphore, #tpu.memory_space<semaphore_mem>>) src(%dma_wait3A_21 : memref<128x128xi32, #tpu.memory_space<hbm>>) dst(%arg12 : memref<128x128xi32, #tpu.memory_space<vmem>>)
    } else {
    }
    %eq3A_3 = arith.constant 1 : i32
    %eq3A_4 = arith.cmpi eq, %arg0, %eq3A_3 : i32
    %convert_element_type3A_5 = arith.extui %eq3A_4 : i1 to i32
    %cond3A_6 = arith.constant 0 : i32
    %cond3A_7 = arith.cmpi ne, %convert_element_type3A_5, %cond3A_6 : i32
    scf.if %cond3A_7 {
      "tpu.region"() ({
        %run_scoped3A = tpu.sem_alloc : memref<!tpu.dma_semaphore, #tpu.memory_space<semaphore_mem>>
        %dma_start3A_26 = tpu.memref_slice %arg6[%mul3A_0] : memref<163840xi32, #tpu.memory_space<hbm>> -> memref<10240xi32, #tpu.memory_space<hbm>>
        %dma_start3A_27 = tpu.memref_slice %arg6[%mul3A_0] : memref<163840xi32, #tpu.memory_space<hbm>> -> memref<10240xi32, #tpu.memory_space<hbm>>
        tpu.enqueue_dma source(%dma_start3A_27 : memref<10240xi32, #tpu.memory_space<hbm>>) target(%arg10 : memref<10240xi32, #tpu.memory_space<vmem>>) target_semaphore(%run_scoped3A : memref<!tpu.dma_semaphore, #tpu.memory_space<semaphore_mem>>)
        %dma_wait3A_28 = tpu.memref_slice %arg6[%mul3A_0] : memref<163840xi32, #tpu.memory_space<hbm>> -> memref<10240xi32, #tpu.memory_space<hbm>>
        %dma_wait3A_29 = tpu.memref_slice %arg6[%mul3A_0] : memref<163840xi32, #tpu.memory_space<hbm>> -> memref<10240xi32, #tpu.memory_space<hbm>>
        tpu.wait_dma2 semaphore(%run_scoped3A : memref<!tpu.dma_semaphore, #tpu.memory_space<semaphore_mem>>) src(%dma_wait3A_29 : memref<10240xi32, #tpu.memory_space<hbm>>) dst(%arg10 : memref<10240xi32, #tpu.memory_space<vmem>>)
        tpu.yield
      }) : () -> ()
      "tpu.region"() ({
        %run_scoped3A = tpu.sem_alloc : memref<!tpu.dma_semaphore, #tpu.memory_space<semaphore_mem>>
        tpu.enqueue_dma source(%arg4 : memref<10000xf32, #tpu.memory_space<hbm>>) target(%arg15 : memref<10000xf32, #tpu.memory_space<vmem>>) target_semaphore(%run_scoped3A : memref<!tpu.dma_semaphore, #tpu.memory_space<semaphore_mem>>)
        tpu.wait_dma2 semaphore(%run_scoped3A : memref<!tpu.dma_semaphore, #tpu.memory_space<semaphore_mem>>) src(%arg4 : memref<10000xf32, #tpu.memory_space<hbm>>) dst(%arg15 : memref<10000xf32, #tpu.memory_space<vmem>>)
        tpu.yield
      }) : () -> ()
      %dma_start3A = arith.constant 0 : i32
      %dma_start3A_8 = tpu.memref_slice %arg10[%dma_start3A] : memref<10240xi32, #tpu.memory_space<vmem>> -> memref<128xi32, #tpu.memory_space<vmem>>
      %dma_start3A_9 = arith.constant 0 : i32
      %dma_start3A_10 = arith.constant 0 : i32
      %dma_start3A_11 = tpu.memref_slice %arg3[%dma_start3A_9, %dma_start3A_10] : memref<10000x128xi32, #tpu.memory_space<hbm>> -> memref<10000x128xi32, #tpu.memory_space<hbm>>
      tpu.enqueue_indirect_dma source(%dma_start3A_11 : memref<10000x128xi32, #tpu.memory_space<hbm>>) target(%arg11 : memref<128x128xi32, #tpu.memory_space<vmem>>) offsets(%dma_start3A_8 : memref<128xi32, #tpu.memory_space<vmem>>) semaphore(%arg16 : memref<!tpu.dma_semaphore, #tpu.memory_space<semaphore_mem>>)
      %scan3A = arith.constant 0 : i32
      %scan3A_12 = arith.constant 0 : i32
      %scan3A_13 = arith.constant 40 : i32
      %scan3A_14 = arith.addi %scan3A_12, %scan3A_13 : i32
      %scan3A_15 = arith.constant 1 : i32
      scf.for %scan3A_26 = %scan3A_12 to %scan3A_14 step %scan3A_15  : i32 {
        %mul3A_27 = arith.constant 2 : i32
        %mul3A_28 = arith.muli %mul3A_27, %scan3A_26 : i32
        %gt3A = arith.constant 0 : i32
        %gt3A_29 = arith.cmpi sgt, %scan3A_26, %gt3A : i32
        %dma_wait3A_30 = arith.constant 0 : i32
        %dma_wait3A_31 = arith.constant 0 : i32
        %dma_wait3A_32 = tpu.memref_slice %arg8[%dma_wait3A_30, %dma_wait3A_31] : memref<163840x128xi32, #tpu.memory_space<hbm>> -> memref<128x128xi32, #tpu.memory_space<hbm>>
        %dma_wait3A_33 = arith.constant 0 : i32
        %dma_wait3A_34 = arith.constant 0 : i32
        %dma_wait3A_35 = tpu.memref_slice %arg8[%dma_wait3A_33, %dma_wait3A_34] : memref<163840x128xi32, #tpu.memory_space<hbm>> -> memref<128x128xi32, #tpu.memory_space<hbm>>
        tpu.wait_dma2 semaphore(%arg16 : memref<!tpu.dma_semaphore, #tpu.memory_space<semaphore_mem>>) src(%dma_wait3A_35 : memref<128x128xi32, #tpu.memory_space<hbm>>) dst(%arg11 : memref<128x128xi32, #tpu.memory_space<vmem>>)
        %mul3A_36 = arith.constant 128 : i32
        %mul3A_37 = arith.muli %mul3A_28, %mul3A_36 : i32
        %add3A = arith.constant 0 : i32
        %add3A_38 = arith.addi %mul3A_37, %add3A : i32
        %get3A = arith.index_cast %add3A_38 : i32 to index
        %get3A_39 = tpu.vector_load %arg10[%get3A] {strides = array<i32>} : memref<10240xi32, #tpu.memory_space<vmem>>, vector<16xi32>,
        %gather3A = tpu.vector_load_idx %arg15[%get3A_39] : memref<10000xf32, #tpu.memory_space<vmem>>[vector<16xi32>], vector<16xf32>,
        %swap3A = arith.constant 0 : index
        %swap3A_40 = tpu.vector_load %arg13[%swap3A] {strides = array<i32>} : memref<128xf32, #tpu.memory_space<vmem>>, vector<16xf32>,
        tpu.vector_store %arg13[%swap3A], %gather3A {strides = array<i32>} : memref<128xf32, #tpu.memory_space<vmem>>, vector<16xf32>,
        %add3A_41 = arith.constant 16 : i32
        %add3A_42 = arith.addi %mul3A_37, %add3A_41 : i32
        %get3A_43 = arith.index_cast %add3A_42 : i32 to index
        %get3A_44 = tpu.vector_load %arg10[%get3A_43] {strides = array<i32>} : memref<10240xi32, #tpu.memory_space<vmem>>, vector<16xi32>,
        %gather3A_45 = tpu.vector_load_idx %arg15[%get3A_44] : memref<10000xf32, #tpu.memory_space<vmem>>[vector<16xi32>], vector<16xf32>,
        %swap3A_46 = arith.constant 16 : index
        %swap3A_47 = tpu.vector_load %arg13[%swap3A_46] {strides = array<i32>} : memref<128xf32, #tpu.memory_space<vmem>>, vector<16xf32>,
        tpu.vector_store %arg13[%swap3A_46], %gather3A_45 {strides = array<i32>} : memref<128xf32, #tpu.memory_space<vmem>>, vector<16xf32>,
        %add3A_48 = arith.constant 32 : i32
        %add3A_49 = arith.addi %mul3A_37, %add3A_48 : i32
        %get3A_50 = arith.index_cast %add3A_49 : i32 to index
        %get3A_51 = tpu.vector_load %arg10[%get3A_50] {strides = array<i32>} : memref<10240xi32, #tpu.memory_space<vmem>>, vector<16xi32>,
        %gather3A_52 = tpu.vector_load_idx %arg15[%get3A_51] : memref<10000xf32, #tpu.memory_space<vmem>>[vector<16xi32>], vector<16xf32>,
        %swap3A_53 = arith.constant 32 : index
        %swap3A_54 = tpu.vector_load %arg13[%swap3A_53] {strides = array<i32>} : memref<128xf32, #tpu.memory_space<vmem>>, vector<16xf32>,
        tpu.vector_store %arg13[%swap3A_53], %gather3A_52 {strides = array<i32>} : memref<128xf32, #tpu.memory_space<vmem>>, vector<16xf32>,
        %add3A_55 = arith.constant 48 : i32
        %add3A_56 = arith.addi %mul3A_37, %add3A_55 : i32
        %get3A_57 = arith.index_cast %add3A_56 : i32 to index
        %get3A_58 = tpu.vector_load %arg10[%get3A_57] {strides = array<i32>} : memref<10240xi32, #tpu.memory_space<vmem>>, vector<16xi32>,
        %gather3A_59 = tpu.vector_load_idx %arg15[%get3A_58] : memref<10000xf32, #tpu.memory_space<vmem>>[vector<16xi32>], vector<16xf32>,
        %swap3A_60 = arith.constant 48 : index
        %swap3A_61 = tpu.vector_load %arg13[%swap3A_60] {strides = array<i32>} : memref<128xf32, #tpu.memory_space<vmem>>, vector<16xf32>,
        tpu.vector_store %arg13[%swap3A_60], %gather3A_59 {strides = array<i32>} : memref<128xf32, #tpu.memory_space<vmem>>, vector<16xf32>,
        %add3A_62 = arith.constant 64 : i32
        %add3A_63 = arith.addi %mul3A_37, %add3A_62 : i32
        %get3A_64 = arith.index_cast %add3A_63 : i32 to index
        %get3A_65 = tpu.vector_load %arg10[%get3A_64] {strides = array<i32>} : memref<10240xi32, #tpu.memory_space<vmem>>, vector<16xi32>,
        %gather3A_66 = tpu.vector_load_idx %arg15[%get3A_65] : memref<10000xf32, #tpu.memory_space<vmem>>[vector<16xi32>], vector<16xf32>,
        %swap3A_67 = arith.constant 64 : index
        %swap3A_68 = tpu.vector_load %arg13[%swap3A_67] {strides = array<i32>} : memref<128xf32, #tpu.memory_space<vmem>>, vector<16xf32>,
        tpu.vector_store %arg13[%swap3A_67], %gather3A_66 {strides = array<i32>} : memref<128xf32, #tpu.memory_space<vmem>>, vector<16xf32>,
        %add3A_69 = arith.constant 80 : i32
        %add3A_70 = arith.addi %mul3A_37, %add3A_69 : i32
        %get3A_71 = arith.index_cast %add3A_70 : i32 to index
        %get3A_72 = tpu.vector_load %arg10[%get3A_71] {strides = array<i32>} : memref<10240xi32, #tpu.memory_space<vmem>>, vector<16xi32>,
        %gather3A_73 = tpu.vector_load_idx %arg15[%get3A_72] : memref<10000xf32, #tpu.memory_space<vmem>>[vector<16xi32>], vector<16xf32>,
        %swap3A_74 = arith.constant 80 : index
        %swap3A_75 = tpu.vector_load %arg13[%swap3A_74] {strides = array<i32>} : memref<128xf32, #tpu.memory_space<vmem>>, vector<16xf32>,
        tpu.vector_store %arg13[%swap3A_74], %gather3A_73 {strides = array<i32>} : memref<128xf32, #tpu.memory_space<vmem>>, vector<16xf32>,
        %add3A_76 = arith.constant 96 : i32
        %add3A_77 = arith.addi %mul3A_37, %add3A_76 : i32
        %get3A_78 = arith.index_cast %add3A_77 : i32 to index
        %get3A_79 = tpu.vector_load %arg10[%get3A_78] {strides = array<i32>} : memref<10240xi32, #tpu.memory_space<vmem>>, vector<16xi32>,
        %gather3A_80 = tpu.vector_load_idx %arg15[%get3A_79] : memref<10000xf32, #tpu.memory_space<vmem>>[vector<16xi32>], vector<16xf32>,
        %swap3A_81 = arith.constant 96 : index
        %swap3A_82 = tpu.vector_load %arg13[%swap3A_81] {strides = array<i32>} : memref<128xf32, #tpu.memory_space<vmem>>, vector<16xf32>,
        tpu.vector_store %arg13[%swap3A_81], %gather3A_80 {strides = array<i32>} : memref<128xf32, #tpu.memory_space<vmem>>, vector<16xf32>,
        %add3A_83 = arith.constant 112 : i32
        %add3A_84 = arith.addi %mul3A_37, %add3A_83 : i32
        %get3A_85 = arith.index_cast %add3A_84 : i32 to index
        %get3A_86 = tpu.vector_load %arg10[%get3A_85] {strides = array<i32>} : memref<10240xi32, #tpu.memory_space<vmem>>, vector<16xi32>,
        %gather3A_87 = tpu.vector_load_idx %arg15[%get3A_86] : memref<10000xf32, #tpu.memory_space<vmem>>[vector<16xi32>], vector<16xf32>,
        %swap3A_88 = arith.constant 112 : index
        %swap3A_89 = tpu.vector_load %arg13[%swap3A_88] {strides = array<i32>} : memref<128xf32, #tpu.memory_space<vmem>>, vector<16xf32>,
        tpu.vector_store %arg13[%swap3A_88], %gather3A_87 {strides = array<i32>} : memref<128xf32, #tpu.memory_space<vmem>>, vector<16xf32>,
        %convert_element_type3A_90 = arith.extui %gt3A_29 : i1 to i32
        %cond3A_91 = arith.constant 0 : i32
        %cond3A_92 = arith.cmpi ne, %convert_element_type3A_90, %cond3A_91 : i32
        scf.if %cond3A_92 {
          %dma_wait3A_199 = arith.constant 0 : i32
          %dma_wait3A_200 = arith.constant 0 : i32
          %dma_wait3A_201 = tpu.memref_slice %arg8[%dma_wait3A_199, %dma_wait3A_200] : memref<163840x128xi32, #tpu.memory_space<hbm>> -> memref<128x128xi32, #tpu.memory_space<hbm>>
          %dma_wait3A_202 = arith.constant 0 : i32
          %dma_wait3A_203 = arith.constant 0 : i32
          %dma_wait3A_204 = tpu.memref_slice %arg8[%dma_wait3A_202, %dma_wait3A_203] : memref<163840x128xi32, #tpu.memory_space<hbm>> -> memref<128x128xi32, #tpu.memory_space<hbm>>
          tpu.wait_dma2 semaphore(%arg19 : memref<!tpu.dma_semaphore, #tpu.memory_space<semaphore_mem>>) src(%dma_wait3A_204 : memref<128x128xi32, #tpu.memory_space<hbm>>) dst(%arg12 : memref<128x128xi32, #tpu.memory_space<vmem>>)
          %dma_wait3A_205 = arith.constant 0 : i32
          %dma_wait3A_206 = tpu.memref_slice %arg9[%dma_wait3A_205] : memref<163840xf32, #tpu.memory_space<hbm>> -> memref<128xf32, #tpu.memory_space<hbm>>
          %dma_wait3A_207 = arith.constant 0 : i32
          %dma_wait3A_208 = tpu.memref_slice %arg9[%dma_wait3A_207] : memref<163840xf32, #tpu.memory_space<hbm>> -> memref<128xf32, #tpu.memory_space<hbm>>
          tpu.wait_dma2 semaphore(%arg19 : memref<!tpu.dma_semaphore, #tpu.memory_space<semaphore_mem>>) src(%dma_wait3A_208 : memref<128xf32, #tpu.memory_space<hbm>>) dst(%arg14 : memref<128xf32, #tpu.memory_space<vmem>>)
        } else {
        }
        %add3A_93 = arith.constant 1 : i32
        %add3A_94 = arith.addi %mul3A_28, %add3A_93 : i32
        %mul3A_95 = arith.constant 128 : i32
        %mul3A_96 = arith.muli %add3A_94, %mul3A_95 : i32
        %dma_start3A_97 = tpu.memref_slice %arg10[%mul3A_96] : memref<10240xi32, #tpu.memory_space<vmem>> -> memref<128xi32, #tpu.memory_space<vmem>>
        %dma_start3A_98 = arith.constant 0 : i32
        %dma_start3A_99 = arith.constant 0 : i32
        %dma_start3A_100 = tpu.memref_slice %arg3[%dma_start3A_98, %dma_start3A_99] : memref<10000x128xi32, #tpu.memory_space<hbm>> -> memref<10000x128xi32, #tpu.memory_space<hbm>>
        tpu.enqueue_indirect_dma source(%dma_start3A_100 : memref<10000x128xi32, #tpu.memory_space<hbm>>) target(%arg12 : memref<128x128xi32, #tpu.memory_space<vmem>>) offsets(%dma_start3A_97 : memref<128xi32, #tpu.memory_space<vmem>>) semaphore(%arg17 : memref<!tpu.dma_semaphore, #tpu.memory_space<semaphore_mem>>)
        %add3A_101 = arith.addi %mul3A_0, %mul3A_37 : i32
        %dma_start3A_102 = arith.constant 0 : i32
        %dma_start3A_103 = tpu.memref_slice %arg8[%add3A_101, %dma_start3A_102] : memref<163840x128xi32, #tpu.memory_space<hbm>> -> memref<128x128xi32, #tpu.memory_space<hbm>>
        %dma_start3A_104 = arith.constant 0 : i32
        %dma_start3A_105 = tpu.memref_slice %arg8[%add3A_101, %dma_start3A_104] : memref<163840x128xi32, #tpu.memory_space<hbm>> -> memref<128x128xi32, #tpu.memory_space<hbm>>
        tpu.enqueue_dma source(%arg11 : memref<128x128xi32, #tpu.memory_space<vmem>>) target(%dma_start3A_105 : memref<128x128xi32, #tpu.memory_space<hbm>>) target_semaphore(%arg18 : memref<!tpu.dma_semaphore, #tpu.memory_space<semaphore_mem>>)
        %add3A_106 = arith.addi %mul3A_0, %mul3A_37 : i32
        %dma_start3A_107 = tpu.memref_slice %arg9[%add3A_106] : memref<163840xf32, #tpu.memory_space<hbm>> -> memref<128xf32, #tpu.memory_space<hbm>>
        %dma_start3A_108 = tpu.memref_slice %arg9[%add3A_106] : memref<163840xf32, #tpu.memory_space<hbm>> -> memref<128xf32, #tpu.memory_space<hbm>>
        tpu.enqueue_dma source(%arg13 : memref<128xf32, #tpu.memory_space<vmem>>) target(%dma_start3A_108 : memref<128xf32, #tpu.memory_space<hbm>>) target_semaphore(%arg18 : memref<!tpu.dma_semaphore, #tpu.memory_space<semaphore_mem>>)
        %mul3A_109 = arith.constant 2 : i32
        %mul3A_110 = arith.muli %mul3A_109, %scan3A_26 : i32
        %add3A_111 = arith.constant 1 : i32
        %add3A_112 = arith.addi %mul3A_110, %add3A_111 : i32
        %lt3A = arith.constant 39 : i32
        %lt3A_113 = arith.cmpi slt, %scan3A_26, %lt3A : i32
        %dma_wait3A_114 = arith.constant 0 : i32
        %dma_wait3A_115 = arith.constant 0 : i32
        %dma_wait3A_116 = tpu.memref_slice %arg8[%dma_wait3A_114, %dma_wait3A_115] : memref<163840x128xi32, #tpu.memory_space<hbm>> -> memref<128x128xi32, #tpu.memory_space<hbm>>
        %dma_wait3A_117 = arith.constant 0 : i32
        %dma_wait3A_118 = arith.constant 0 : i32
        %dma_wait3A_119 = tpu.memref_slice %arg8[%dma_wait3A_117, %dma_wait3A_118] : memref<163840x128xi32, #tpu.memory_space<hbm>> -> memref<128x128xi32, #tpu.memory_space<hbm>>
        tpu.wait_dma2 semaphore(%arg17 : memref<!tpu.dma_semaphore, #tpu.memory_space<semaphore_mem>>) src(%dma_wait3A_119 : memref<128x128xi32, #tpu.memory_space<hbm>>) dst(%arg12 : memref<128x128xi32, #tpu.memory_space<vmem>>)
        %mul3A_120 = arith.constant 128 : i32
        %mul3A_121 = arith.muli %add3A_112, %mul3A_120 : i32
        %add3A_122 = arith.constant 0 : i32
        %add3A_123 = arith.addi %mul3A_121, %add3A_122 : i32
        %get3A_124 = arith.index_cast %add3A_123 : i32 to index
        %get3A_125 = tpu.vector_load %arg10[%get3A_124] {strides = array<i32>} : memref<10240xi32, #tpu.memory_space<vmem>>, vector<16xi32>,
        %gather3A_126 = tpu.vector_load_idx %arg15[%get3A_125] : memref<10000xf32, #tpu.memory_space<vmem>>[vector<16xi32>], vector<16xf32>,
        %swap3A_127 = arith.constant 0 : index
        %swap3A_128 = tpu.vector_load %arg14[%swap3A_127] {strides = array<i32>} : memref<128xf32, #tpu.memory_space<vmem>>, vector<16xf32>,
        tpu.vector_store %arg14[%swap3A_127], %gather3A_126 {strides = array<i32>} : memref<128xf32, #tpu.memory_space<vmem>>, vector<16xf32>,
        %add3A_129 = arith.constant 16 : i32
        %add3A_130 = arith.addi %mul3A_121, %add3A_129 : i32
        %get3A_131 = arith.index_cast %add3A_130 : i32 to index
        %get3A_132 = tpu.vector_load %arg10[%get3A_131] {strides = array<i32>} : memref<10240xi32, #tpu.memory_space<vmem>>, vector<16xi32>,
        %gather3A_133 = tpu.vector_load_idx %arg15[%get3A_132] : memref<10000xf32, #tpu.memory_space<vmem>>[vector<16xi32>], vector<16xf32>,
        %swap3A_134 = arith.constant 16 : index
        %swap3A_135 = tpu.vector_load %arg14[%swap3A_134] {strides = array<i32>} : memref<128xf32, #tpu.memory_space<vmem>>, vector<16xf32>,
        tpu.vector_store %arg14[%swap3A_134], %gather3A_133 {strides = array<i32>} : memref<128xf32, #tpu.memory_space<vmem>>, vector<16xf32>,
        %add3A_136 = arith.constant 32 : i32
        %add3A_137 = arith.addi %mul3A_121, %add3A_136 : i32
        %get3A_138 = arith.index_cast %add3A_137 : i32 to index
        %get3A_139 = tpu.vector_load %arg10[%get3A_138] {strides = array<i32>} : memref<10240xi32, #tpu.memory_space<vmem>>, vector<16xi32>,
        %gather3A_140 = tpu.vector_load_idx %arg15[%get3A_139] : memref<10000xf32, #tpu.memory_space<vmem>>[vector<16xi32>], vector<16xf32>,
        %swap3A_141 = arith.constant 32 : index
        %swap3A_142 = tpu.vector_load %arg14[%swap3A_141] {strides = array<i32>} : memref<128xf32, #tpu.memory_space<vmem>>, vector<16xf32>,
        tpu.vector_store %arg14[%swap3A_141], %gather3A_140 {strides = array<i32>} : memref<128xf32, #tpu.memory_space<vmem>>, vector<16xf32>,
        %add3A_143 = arith.constant 48 : i32
        %add3A_144 = arith.addi %mul3A_121, %add3A_143 : i32
        %get3A_145 = arith.index_cast %add3A_144 : i32 to index
        %get3A_146 = tpu.vector_load %arg10[%get3A_145] {strides = array<i32>} : memref<10240xi32, #tpu.memory_space<vmem>>, vector<16xi32>,
        %gather3A_147 = tpu.vector_load_idx %arg15[%get3A_146] : memref<10000xf32, #tpu.memory_space<vmem>>[vector<16xi32>], vector<16xf32>,
        %swap3A_148 = arith.constant 48 : index
        %swap3A_149 = tpu.vector_load %arg14[%swap3A_148] {strides = array<i32>} : memref<128xf32, #tpu.memory_space<vmem>>, vector<16xf32>,
        tpu.vector_store %arg14[%swap3A_148], %gather3A_147 {strides = array<i32>} : memref<128xf32, #tpu.memory_space<vmem>>, vector<16xf32>,
        %add3A_150 = arith.constant 64 : i32
        %add3A_151 = arith.addi %mul3A_121, %add3A_150 : i32
        %get3A_152 = arith.index_cast %add3A_151 : i32 to index
        %get3A_153 = tpu.vector_load %arg10[%get3A_152] {strides = array<i32>} : memref<10240xi32, #tpu.memory_space<vmem>>, vector<16xi32>,
        %gather3A_154 = tpu.vector_load_idx %arg15[%get3A_153] : memref<10000xf32, #tpu.memory_space<vmem>>[vector<16xi32>], vector<16xf32>,
        %swap3A_155 = arith.constant 64 : index
        %swap3A_156 = tpu.vector_load %arg14[%swap3A_155] {strides = array<i32>} : memref<128xf32, #tpu.memory_space<vmem>>, vector<16xf32>,
        tpu.vector_store %arg14[%swap3A_155], %gather3A_154 {strides = array<i32>} : memref<128xf32, #tpu.memory_space<vmem>>, vector<16xf32>,
        %add3A_157 = arith.constant 80 : i32
        %add3A_158 = arith.addi %mul3A_121, %add3A_157 : i32
        %get3A_159 = arith.index_cast %add3A_158 : i32 to index
        %get3A_160 = tpu.vector_load %arg10[%get3A_159] {strides = array<i32>} : memref<10240xi32, #tpu.memory_space<vmem>>, vector<16xi32>,
        %gather3A_161 = tpu.vector_load_idx %arg15[%get3A_160] : memref<10000xf32, #tpu.memory_space<vmem>>[vector<16xi32>], vector<16xf32>,
        %swap3A_162 = arith.constant 80 : index
        %swap3A_163 = tpu.vector_load %arg14[%swap3A_162] {strides = array<i32>} : memref<128xf32, #tpu.memory_space<vmem>>, vector<16xf32>,
        tpu.vector_store %arg14[%swap3A_162], %gather3A_161 {strides = array<i32>} : memref<128xf32, #tpu.memory_space<vmem>>, vector<16xf32>,
        %add3A_164 = arith.constant 96 : i32
        %add3A_165 = arith.addi %mul3A_121, %add3A_164 : i32
        %get3A_166 = arith.index_cast %add3A_165 : i32 to index
        %get3A_167 = tpu.vector_load %arg10[%get3A_166] {strides = array<i32>} : memref<10240xi32, #tpu.memory_space<vmem>>, vector<16xi32>,
        %gather3A_168 = tpu.vector_load_idx %arg15[%get3A_167] : memref<10000xf32, #tpu.memory_space<vmem>>[vector<16xi32>], vector<16xf32>,
        %swap3A_169 = arith.constant 96 : index
        %swap3A_170 = tpu.vector_load %arg14[%swap3A_169] {strides = array<i32>} : memref<128xf32, #tpu.memory_space<vmem>>, vector<16xf32>,
        tpu.vector_store %arg14[%swap3A_169], %gather3A_168 {strides = array<i32>} : memref<128xf32, #tpu.memory_space<vmem>>, vector<16xf32>,
        %add3A_171 = arith.constant 112 : i32
        %add3A_172 = arith.addi %mul3A_121, %add3A_171 : i32
        %get3A_173 = arith.index_cast %add3A_172 : i32 to index
        %get3A_174 = tpu.vector_load %arg10[%get3A_173] {strides = array<i32>} : memref<10240xi32, #tpu.memory_space<vmem>>, vector<16xi32>,
        %gather3A_175 = tpu.vector_load_idx %arg15[%get3A_174] : memref<10000xf32, #tpu.memory_space<vmem>>[vector<16xi32>], vector<16xf32>,
        %swap3A_176 = arith.constant 112 : index
        %swap3A_177 = tpu.vector_load %arg14[%swap3A_176] {strides = array<i32>} : memref<128xf32, #tpu.memory_space<vmem>>, vector<16xf32>,
        tpu.vector_store %arg14[%swap3A_176], %gather3A_175 {strides = array<i32>} : memref<128xf32, #tpu.memory_space<vmem>>, vector<16xf32>,
        %dma_wait3A_178 = arith.constant 0 : i32
        %dma_wait3A_179 = arith.constant 0 : i32
        %dma_wait3A_180 = tpu.memref_slice %arg8[%dma_wait3A_178, %dma_wait3A_179] : memref<163840x128xi32, #tpu.memory_space<hbm>> -> memref<128x128xi32, #tpu.memory_space<hbm>>
        %dma_wait3A_181 = arith.constant 0 : i32
        %dma_wait3A_182 = arith.constant 0 : i32
        %dma_wait3A_183 = tpu.memref_slice %arg8[%dma_wait3A_181, %dma_wait3A_182] : memref<163840x128xi32, #tpu.memory_space<hbm>> -> memref<128x128xi32, #tpu.memory_space<hbm>>
        tpu.wait_dma2 semaphore(%arg18 : memref<!tpu.dma_semaphore, #tpu.memory_space<semaphore_mem>>) src(%dma_wait3A_183 : memref<128x128xi32, #tpu.memory_space<hbm>>) dst(%arg11 : memref<128x128xi32, #tpu.memory_space<vmem>>)
        %dma_wait3A_184 = arith.constant 0 : i32
        %dma_wait3A_185 = tpu.memref_slice %arg9[%dma_wait3A_184] : memref<163840xf32, #tpu.memory_space<hbm>> -> memref<128xf32, #tpu.memory_space<hbm>>
        %dma_wait3A_186 = arith.constant 0 : i32
        %dma_wait3A_187 = tpu.memref_slice %arg9[%dma_wait3A_186] : memref<163840xf32, #tpu.memory_space<hbm>> -> memref<128xf32, #tpu.memory_space<hbm>>
        tpu.wait_dma2 semaphore(%arg18 : memref<!tpu.dma_semaphore, #tpu.memory_space<semaphore_mem>>) src(%dma_wait3A_187 : memref<128xf32, #tpu.memory_space<hbm>>) dst(%arg13 : memref<128xf32, #tpu.memory_space<vmem>>)
        %convert_element_type3A_188 = arith.extui %lt3A_113 : i1 to i32
        %cond3A_189 = arith.constant 0 : i32
        %cond3A_190 = arith.cmpi ne, %convert_element_type3A_188, %cond3A_189 : i32
        scf.if %cond3A_190 {
          %add3A_199 = arith.constant 1 : i32
          %add3A_200 = arith.addi %add3A_112, %add3A_199 : i32
          %mul3A_201 = arith.constant 128 : i32
          %mul3A_202 = arith.muli %add3A_200, %mul3A_201 : i32
          %dma_start3A_203 = tpu.memref_slice %arg10[%mul3A_202] : memref<10240xi32, #tpu.memory_space<vmem>> -> memref<128xi32, #tpu.memory_space<vmem>>
          %dma_start3A_204 = arith.constant 0 : i32
          %dma_start3A_205 = arith.constant 0 : i32
          %dma_start3A_206 = tpu.memref_slice %arg3[%dma_start3A_204, %dma_start3A_205] : memref<10000x128xi32, #tpu.memory_space<hbm>> -> memref<10000x128xi32, #tpu.memory_space<hbm>>
          tpu.enqueue_indirect_dma source(%dma_start3A_206 : memref<10000x128xi32, #tpu.memory_space<hbm>>) target(%arg11 : memref<128x128xi32, #tpu.memory_space<vmem>>) offsets(%dma_start3A_203 : memref<128xi32, #tpu.memory_space<vmem>>) semaphore(%arg16 : memref<!tpu.dma_semaphore, #tpu.memory_space<semaphore_mem>>)
        } else {
        }
        %add3A_191 = arith.addi %mul3A_0, %mul3A_121 : i32
        %dma_start3A_192 = arith.constant 0 : i32
        %dma_start3A_193 = tpu.memref_slice %arg8[%add3A_191, %dma_start3A_192] : memref<163840x128xi32, #tpu.memory_space<hbm>> -> memref<128x128xi32, #tpu.memory_space<hbm>>
        %dma_start3A_194 = arith.constant 0 : i32
        %dma_start3A_195 = tpu.memref_slice %arg8[%add3A_191, %dma_start3A_194] : memref<163840x128xi32, #tpu.memory_space<hbm>> -> memref<128x128xi32, #tpu.memory_space<hbm>>
        tpu.enqueue_dma source(%arg12 : memref<128x128xi32, #tpu.memory_space<vmem>>) target(%dma_start3A_195 : memref<128x128xi32, #tpu.memory_space<hbm>>) target_semaphore(%arg19 : memref<!tpu.dma_semaphore, #tpu.memory_space<semaphore_mem>>)
        %add3A_196 = arith.addi %mul3A_0, %mul3A_121 : i32
        %dma_start3A_197 = tpu.memref_slice %arg9[%add3A_196] : memref<163840xf32, #tpu.memory_space<hbm>> -> memref<128xf32, #tpu.memory_space<hbm>>
        %dma_start3A_198 = tpu.memref_slice %arg9[%add3A_196] : memref<163840xf32, #tpu.memory_space<hbm>> -> memref<128xf32, #tpu.memory_space<hbm>>
        tpu.enqueue_dma source(%arg14 : memref<128xf32, #tpu.memory_space<vmem>>) target(%dma_start3A_198 : memref<128xf32, #tpu.memory_space<hbm>>) target_semaphore(%arg19 : memref<!tpu.dma_semaphore, #tpu.memory_space<semaphore_mem>>)
      }
      %scan3A_16 = arith.constant 40 : i32
      %dma_wait3A = arith.constant 0 : i32
      %dma_wait3A_17 = arith.constant 0 : i32
      %dma_wait3A_18 = tpu.memref_slice %arg8[%dma_wait3A, %dma_wait3A_17] : memref<163840x128xi32, #tpu.memory_space<hbm>> -> memref<128x128xi32, #tpu.memory_space<hbm>>
      %dma_wait3A_19 = arith.constant 0 : i32
      %dma_wait3A_20 = arith.constant 0 : i32
      %dma_wait3A_21 = tpu.memref_slice %arg8[%dma_wait3A_19, %dma_wait3A_20] : memref<163840x128xi32, #tpu.memory_space<hbm>> -> memref<128x128xi32, #tpu.memory_space<hbm>>
      tpu.wait_dma2 semaphore(%arg19 : memref<!tpu.dma_semaphore, #tpu.memory_space<semaphore_mem>>) src(%dma_wait3A_21 : memref<128x128xi32, #tpu.memory_space<hbm>>) dst(%arg12 : memref<128x128xi32, #tpu.memory_space<vmem>>)
      %dma_wait3A_22 = arith.constant 0 : i32
      %dma_wait3A_23 = tpu.memref_slice %arg9[%dma_wait3A_22] : memref<163840xf32, #tpu.memory_space<hbm>> -> memref<128xf32, #tpu.memory_space<hbm>>
      %dma_wait3A_24 = arith.constant 0 : i32
      %dma_wait3A_25 = tpu.memref_slice %arg9[%dma_wait3A_24] : memref<163840xf32, #tpu.memory_space<hbm>> -> memref<128xf32, #tpu.memory_space<hbm>>
      tpu.wait_dma2 semaphore(%arg19 : memref<!tpu.dma_semaphore, #tpu.memory_space<semaphore_mem>>) src(%dma_wait3A_25 : memref<128xf32, #tpu.memory_space<hbm>>) dst(%arg14 : memref<128xf32, #tpu.memory_space<vmem>>)
    } else {
    }
    return
  }
}

#map = affine_map<(d0, d1) -> (0, 0)>
#map1 = affine_map<(d0, d1) -> (0)>
module attributes {stable_mosaic.version = 14 : i64} {
  func.func @_denom_stage(%arg0: i32, %arg1: i32, %arg2: memref<160000x384xf32, #tpu.memory_space<hbm>>, %arg3: memref<160000xi32, #tpu.memory_space<hbm>>, %arg4: memref<10240x128xf32, #tpu.memory_space<hbm>>, %arg5: memref<10240x256xf32, #tpu.memory_space<hbm>>, %arg6: memref<10240x128xf32, #tpu.memory_space<vmem_shared>>, %arg7: memref<40x128xf32, #tpu.memory_space<vmem>>, %arg8: memref<40x128xf32, #tpu.memory_space<vmem>>, %arg9: memref<40xi32, #tpu.memory_space<vmem>>, %arg10: memref<40xi32, #tpu.memory_space<vmem>>, %arg11: memref<!tpu.dma_semaphore, #tpu.memory_space<semaphore_mem>>, %arg12: memref<!tpu.dma_semaphore, #tpu.memory_space<semaphore_mem>>) attributes {dimension_semantics = [#tpu.dimension_semantics<core_parallel>, #tpu.dimension_semantics<subcore_parallel>], iteration_bounds = array<i64: 2, 16>, scalar_prefetch = 0 : i64, scratch_operands = 7 : i64, tpu.core_type = #tpu.core_type<sc_vector_subcore>, window_params = [{transform_indices = #map}, {transform_indices = #map1}, {transform_indices = #map}, {transform_indices = #map}]} {
    %mul3A = arith.constant 16 : i32
    %mul3A_0 = arith.muli %arg0, %mul3A : i32
    %add3A = arith.addi %mul3A_0, %arg1 : i32
    %mul3A_1 = arith.constant 5000 : i32
    %mul3A_2 = arith.muli %add3A, %mul3A_1 : i32
    %eq3A = arith.constant 0 : i32
    %eq3A_3 = arith.cmpi eq, %arg1, %eq3A : i32
    %convert_element_type3A = arith.extui %eq3A_3 : i1 to i32
    %cond3A = arith.constant 0 : i32
    %cond3A_4 = arith.cmpi ne, %convert_element_type3A, %cond3A : i32
    scf.if %cond3A_4 {
      "tpu.region"() ({
        %run_scoped3A = tpu.sem_alloc : memref<!tpu.dma_semaphore, #tpu.memory_space<semaphore_mem>>
        tpu.enqueue_dma source(%arg4 : memref<10240x128xf32, #tpu.memory_space<hbm>>) target(%arg6 : memref<10240x128xf32, #tpu.memory_space<vmem_shared>>) target_semaphore(%run_scoped3A : memref<!tpu.dma_semaphore, #tpu.memory_space<semaphore_mem>>)
        tpu.wait_dma2 semaphore(%run_scoped3A : memref<!tpu.dma_semaphore, #tpu.memory_space<semaphore_mem>>) src(%arg4 : memref<10240x128xf32, #tpu.memory_space<hbm>>) dst(%arg6 : memref<10240x128xf32, #tpu.memory_space<vmem_shared>>)
        tpu.yield
      }) : () -> ()
    } else {
    }
    %barrier3A = arith.constant 0 : index
    tpu.barrier barrier_id(%barrier3A)
    %add3A_5 = arith.constant 0 : i32
    %add3A_6 = arith.addi %mul3A_2, %add3A_5 : i32
    %dma_start3A = arith.constant 256 : i32
    %dma_start3A_7 = tpu.memref_slice %arg2[%add3A_6, %dma_start3A] : memref<160000x384xf32, #tpu.memory_space<hbm>> -> memref<40x128xf32, #tpu.memory_space<hbm>>
    %dma_start3A_8 = arith.constant 256 : i32
    %dma_start3A_9 = tpu.memref_slice %arg2[%add3A_6, %dma_start3A_8] : memref<160000x384xf32, #tpu.memory_space<hbm>> -> memref<40x128xf32, #tpu.memory_space<hbm>>
    tpu.enqueue_dma source(%dma_start3A_9 : memref<40x128xf32, #tpu.memory_space<hbm>>) target(%arg7 : memref<40x128xf32, #tpu.memory_space<vmem>>) target_semaphore(%arg11 : memref<!tpu.dma_semaphore, #tpu.memory_space<semaphore_mem>>)
    %dma_start3A_10 = tpu.memref_slice %arg3[%add3A_6] : memref<160000xi32, #tpu.memory_space<hbm>> -> memref<40xi32, #tpu.memory_space<hbm>>
    %dma_start3A_11 = tpu.memref_slice %arg3[%add3A_6] : memref<160000xi32, #tpu.memory_space<hbm>> -> memref<40xi32, #tpu.memory_space<hbm>>
    tpu.enqueue_dma source(%dma_start3A_11 : memref<40xi32, #tpu.memory_space<hbm>>) target(%arg9 : memref<40xi32, #tpu.memory_space<vmem>>) target_semaphore(%arg11 : memref<!tpu.dma_semaphore, #tpu.memory_space<semaphore_mem>>)
    %scan3A = arith.constant 0 : i32
    %scan3A_12 = arith.constant 0 : i32
    %scan3A_13 = arith.constant 62 : i32
    %scan3A_14 = arith.addi %scan3A_12, %scan3A_13 : i32
    %scan3A_15 = arith.constant 1 : i32
    scf.for %scan3A_31 = %scan3A_12 to %scan3A_14 step %scan3A_15  : i32 {
      %mul3A_32 = arith.constant 2 : i32
      %mul3A_33 = arith.muli %mul3A_32, %scan3A_31 : i32
      %add3A_34 = arith.constant 1 : i32
      %add3A_35 = arith.addi %mul3A_33, %add3A_34 : i32
      %mul3A_36 = arith.constant 40 : i32
      %mul3A_37 = arith.muli %add3A_35, %mul3A_36 : i32
      %add3A_38 = arith.addi %mul3A_2, %mul3A_37 : i32
      %dma_start3A_39 = arith.constant 256 : i32
      %dma_start3A_40 = tpu.memref_slice %arg2[%add3A_38, %dma_start3A_39] : memref<160000x384xf32, #tpu.memory_space<hbm>> -> memref<40x128xf32, #tpu.memory_space<hbm>>
      %dma_start3A_41 = arith.constant 256 : i32
      %dma_start3A_42 = tpu.memref_slice %arg2[%add3A_38, %dma_start3A_41] : memref<160000x384xf32, #tpu.memory_space<hbm>> -> memref<40x128xf32, #tpu.memory_space<hbm>>
      tpu.enqueue_dma source(%dma_start3A_42 : memref<40x128xf32, #tpu.memory_space<hbm>>) target(%arg8 : memref<40x128xf32, #tpu.memory_space<vmem>>) target_semaphore(%arg12 : memref<!tpu.dma_semaphore, #tpu.memory_space<semaphore_mem>>)
      %dma_start3A_43 = tpu.memref_slice %arg3[%add3A_38] : memref<160000xi32, #tpu.memory_space<hbm>> -> memref<40xi32, #tpu.memory_space<hbm>>
      %dma_start3A_44 = tpu.memref_slice %arg3[%add3A_38] : memref<160000xi32, #tpu.memory_space<hbm>> -> memref<40xi32, #tpu.memory_space<hbm>>
      tpu.enqueue_dma source(%dma_start3A_44 : memref<40xi32, #tpu.memory_space<hbm>>) target(%arg10 : memref<40xi32, #tpu.memory_space<vmem>>) target_semaphore(%arg12 : memref<!tpu.dma_semaphore, #tpu.memory_space<semaphore_mem>>)
      %dma_wait3A_45 = arith.constant 0 : i32
      %dma_wait3A_46 = arith.constant 0 : i32
      %dma_wait3A_47 = tpu.memref_slice %arg2[%dma_wait3A_45, %dma_wait3A_46] : memref<160000x384xf32, #tpu.memory_space<hbm>> -> memref<40x128xf32, #tpu.memory_space<hbm>>
      %dma_wait3A_48 = arith.constant 0 : i32
      %dma_wait3A_49 = arith.constant 0 : i32
      %dma_wait3A_50 = tpu.memref_slice %arg2[%dma_wait3A_48, %dma_wait3A_49] : memref<160000x384xf32, #tpu.memory_space<hbm>> -> memref<40x128xf32, #tpu.memory_space<hbm>>
      tpu.wait_dma2 semaphore(%arg11 : memref<!tpu.dma_semaphore, #tpu.memory_space<semaphore_mem>>) src(%dma_wait3A_50 : memref<40x128xf32, #tpu.memory_space<hbm>>) dst(%arg7 : memref<40x128xf32, #tpu.memory_space<vmem>>)
      %dma_wait3A_51 = arith.constant 0 : i32
      %dma_wait3A_52 = tpu.memref_slice %arg3[%dma_wait3A_51] : memref<160000xi32, #tpu.memory_space<hbm>> -> memref<40xi32, #tpu.memory_space<hbm>>
      %dma_wait3A_53 = arith.constant 0 : i32
      %dma_wait3A_54 = tpu.memref_slice %arg3[%dma_wait3A_53] : memref<160000xi32, #tpu.memory_space<hbm>> -> memref<40xi32, #tpu.memory_space<hbm>>
      tpu.wait_dma2 semaphore(%arg11 : memref<!tpu.dma_semaphore, #tpu.memory_space<semaphore_mem>>) src(%dma_wait3A_54 : memref<40xi32, #tpu.memory_space<hbm>>) dst(%arg9 : memref<40xi32, #tpu.memory_space<vmem>>)
      "tpu.region"() ({
        %run_scoped3A = tpu.sem_alloc : memref<!tpu.dma_semaphore, #tpu.memory_space<semaphore_mem>>
        %dma_start3A_80 = arith.constant 0 : i32
        %dma_start3A_81 = arith.constant 0 : i32
        %dma_start3A_82 = tpu.memref_slice %arg6[%dma_start3A_80, %dma_start3A_81] : memref<10240x128xf32, #tpu.memory_space<vmem_shared>> -> memref<10240x128xf32, #tpu.memory_space<vmem_shared>>
        tpu.enqueue_indirect_dma source(%arg7 : memref<40x128xf32, #tpu.memory_space<vmem>>) target(%dma_start3A_82 : memref<10240x128xf32, #tpu.memory_space<vmem_shared>>) offsets(%arg9 : memref<40xi32, #tpu.memory_space<vmem>>) semaphore(%run_scoped3A : memref<!tpu.dma_semaphore, #tpu.memory_space<semaphore_mem>>) {add = true}
        %dma_wait3A_83 = arith.constant 0 : i32
        %dma_wait3A_84 = arith.constant 0 : i32
        %dma_wait3A_85 = tpu.memref_slice %arg6[%dma_wait3A_83, %dma_wait3A_84] : memref<10240x128xf32, #tpu.memory_space<vmem_shared>> -> memref<10240x128xf32, #tpu.memory_space<vmem_shared>>
        tpu.wait_indirect_dma semaphore(%run_scoped3A : memref<!tpu.dma_semaphore, #tpu.memory_space<semaphore_mem>>) src(%arg7 : memref<40x128xf32, #tpu.memory_space<vmem>>) dst(%dma_wait3A_85 : memref<10240x128xf32, #tpu.memory_space<vmem_shared>>)
        tpu.yield
      }) : () -> ()
      %mul3A_55 = arith.constant 2 : i32
      %mul3A_56 = arith.muli %mul3A_55, %scan3A_31 : i32
      %add3A_57 = arith.constant 1 : i32
      %add3A_58 = arith.addi %mul3A_56, %add3A_57 : i32
      %add3A_59 = arith.constant 1 : i32
      %add3A_60 = arith.addi %add3A_58, %add3A_59 : i32
      %mul3A_61 = arith.constant 40 : i32
      %mul3A_62 = arith.muli %add3A_60, %mul3A_61 : i32
      %add3A_63 = arith.addi %mul3A_2, %mul3A_62 : i32
      %dma_start3A_64 = arith.constant 256 : i32
      %dma_start3A_65 = tpu.memref_slice %arg2[%add3A_63, %dma_start3A_64] : memref<160000x384xf32, #tpu.memory_space<hbm>> -> memref<40x128xf32, #tpu.memory_space<hbm>>
      %dma_start3A_66 = arith.constant 256 : i32
      %dma_start3A_67 = tpu.memref_slice %arg2[%add3A_63, %dma_start3A_66] : memref<160000x384xf32, #tpu.memory_space<hbm>> -> memref<40x128xf32, #tpu.memory_space<hbm>>
      tpu.enqueue_dma source(%dma_start3A_67 : memref<40x128xf32, #tpu.memory_space<hbm>>) target(%arg7 : memref<40x128xf32, #tpu.memory_space<vmem>>) target_semaphore(%arg11 : memref<!tpu.dma_semaphore, #tpu.memory_space<semaphore_mem>>)
      %dma_start3A_68 = tpu.memref_slice %arg3[%add3A_63] : memref<160000xi32, #tpu.memory_space<hbm>> -> memref<40xi32, #tpu.memory_space<hbm>>
      %dma_start3A_69 = tpu.memref_slice %arg3[%add3A_63] : memref<160000xi32, #tpu.memory_space<hbm>> -> memref<40xi32, #tpu.memory_space<hbm>>
      tpu.enqueue_dma source(%dma_start3A_69 : memref<40xi32, #tpu.memory_space<hbm>>) target(%arg9 : memref<40xi32, #tpu.memory_space<vmem>>) target_semaphore(%arg11 : memref<!tpu.dma_semaphore, #tpu.memory_space<semaphore_mem>>)
      %dma_wait3A_70 = arith.constant 0 : i32
      %dma_wait3A_71 = arith.constant 0 : i32
      %dma_wait3A_72 = tpu.memref_slice %arg2[%dma_wait3A_70, %dma_wait3A_71] : memref<160000x384xf32, #tpu.memory_space<hbm>> -> memref<40x128xf32, #tpu.memory_space<hbm>>
      %dma_wait3A_73 = arith.constant 0 : i32
      %dma_wait3A_74 = arith.constant 0 : i32
      %dma_wait3A_75 = tpu.memref_slice %arg2[%dma_wait3A_73, %dma_wait3A_74] : memref<160000x384xf32, #tpu.memory_space<hbm>> -> memref<40x128xf32, #tpu.memory_space<hbm>>
      tpu.wait_dma2 semaphore(%arg12 : memref<!tpu.dma_semaphore, #tpu.memory_space<semaphore_mem>>) src(%dma_wait3A_75 : memref<40x128xf32, #tpu.memory_space<hbm>>) dst(%arg8 : memref<40x128xf32, #tpu.memory_space<vmem>>)
      %dma_wait3A_76 = arith.constant 0 : i32
      %dma_wait3A_77 = tpu.memref_slice %arg3[%dma_wait3A_76] : memref<160000xi32, #tpu.memory_space<hbm>> -> memref<40xi32, #tpu.memory_space<hbm>>
      %dma_wait3A_78 = arith.constant 0 : i32
      %dma_wait3A_79 = tpu.memref_slice %arg3[%dma_wait3A_78] : memref<160000xi32, #tpu.memory_space<hbm>> -> memref<40xi32, #tpu.memory_space<hbm>>
      tpu.wait_dma2 semaphore(%arg12 : memref<!tpu.dma_semaphore, #tpu.memory_space<semaphore_mem>>) src(%dma_wait3A_79 : memref<40xi32, #tpu.memory_space<hbm>>) dst(%arg10 : memref<40xi32, #tpu.memory_space<vmem>>)
      "tpu.region"() ({
        %run_scoped3A = tpu.sem_alloc : memref<!tpu.dma_semaphore, #tpu.memory_space<semaphore_mem>>
        %dma_start3A_80 = arith.constant 0 : i32
        %dma_start3A_81 = arith.constant 0 : i32
        %dma_start3A_82 = tpu.memref_slice %arg6[%dma_start3A_80, %dma_start3A_81] : memref<10240x128xf32, #tpu.memory_space<vmem_shared>> -> memref<10240x128xf32, #tpu.memory_space<vmem_shared>>
        tpu.enqueue_indirect_dma source(%arg8 : memref<40x128xf32, #tpu.memory_space<vmem>>) target(%dma_start3A_82 : memref<10240x128xf32, #tpu.memory_space<vmem_shared>>) offsets(%arg10 : memref<40xi32, #tpu.memory_space<vmem>>) semaphore(%run_scoped3A : memref<!tpu.dma_semaphore, #tpu.memory_space<semaphore_mem>>) {add = true}
        %dma_wait3A_83 = arith.constant 0 : i32
        %dma_wait3A_84 = arith.constant 0 : i32
        %dma_wait3A_85 = tpu.memref_slice %arg6[%dma_wait3A_83, %dma_wait3A_84] : memref<10240x128xf32, #tpu.memory_space<vmem_shared>> -> memref<10240x128xf32, #tpu.memory_space<vmem_shared>>
        tpu.wait_indirect_dma semaphore(%run_scoped3A : memref<!tpu.dma_semaphore, #tpu.memory_space<semaphore_mem>>) src(%arg8 : memref<40x128xf32, #tpu.memory_space<vmem>>) dst(%dma_wait3A_85 : memref<10240x128xf32, #tpu.memory_space<vmem_shared>>)
        tpu.yield
      }) : () -> ()
    }
    %scan3A_16 = arith.constant 62 : i32
    %dma_wait3A = arith.constant 0 : i32
    %dma_wait3A_17 = arith.constant 0 : i32
    %dma_wait3A_18 = tpu.memref_slice %arg2[%dma_wait3A, %dma_wait3A_17] : memref<160000x384xf32, #tpu.memory_space<hbm>> -> memref<40x128xf32, #tpu.memory_space<hbm>>
    %dma_wait3A_19 = arith.constant 0 : i32
    %dma_wait3A_20 = arith.constant 0 : i32
    %dma_wait3A_21 = tpu.memref_slice %arg2[%dma_wait3A_19, %dma_wait3A_20] : memref<160000x384xf32, #tpu.memory_space<hbm>> -> memref<40x128xf32, #tpu.memory_space<hbm>>
    tpu.wait_dma2 semaphore(%arg11 : memref<!tpu.dma_semaphore, #tpu.memory_space<semaphore_mem>>) src(%dma_wait3A_21 : memref<40x128xf32, #tpu.memory_space<hbm>>) dst(%arg7 : memref<40x128xf32, #tpu.memory_space<vmem>>)
    %dma_wait3A_22 = arith.constant 0 : i32
    %dma_wait3A_23 = tpu.memref_slice %arg3[%dma_wait3A_22] : memref<160000xi32, #tpu.memory_space<hbm>> -> memref<40xi32, #tpu.memory_space<hbm>>
    %dma_wait3A_24 = arith.constant 0 : i32
    %dma_wait3A_25 = tpu.memref_slice %arg3[%dma_wait3A_24] : memref<160000xi32, #tpu.memory_space<hbm>> -> memref<40xi32, #tpu.memory_space<hbm>>
    tpu.wait_dma2 semaphore(%arg11 : memref<!tpu.dma_semaphore, #tpu.memory_space<semaphore_mem>>) src(%dma_wait3A_25 : memref<40xi32, #tpu.memory_space<hbm>>) dst(%arg9 : memref<40xi32, #tpu.memory_space<vmem>>)
    "tpu.region"() ({
      %run_scoped3A = tpu.sem_alloc : memref<!tpu.dma_semaphore, #tpu.memory_space<semaphore_mem>>
      %dma_start3A_31 = arith.constant 0 : i32
      %dma_start3A_32 = arith.constant 0 : i32
      %dma_start3A_33 = tpu.memref_slice %arg6[%dma_start3A_31, %dma_start3A_32] : memref<10240x128xf32, #tpu.memory_space<vmem_shared>> -> memref<10240x128xf32, #tpu.memory_space<vmem_shared>>
      tpu.enqueue_indirect_dma source(%arg7 : memref<40x128xf32, #tpu.memory_space<vmem>>) target(%dma_start3A_33 : memref<10240x128xf32, #tpu.memory_space<vmem_shared>>) offsets(%arg9 : memref<40xi32, #tpu.memory_space<vmem>>) semaphore(%run_scoped3A : memref<!tpu.dma_semaphore, #tpu.memory_space<semaphore_mem>>) {add = true}
      %dma_wait3A_34 = arith.constant 0 : i32
      %dma_wait3A_35 = arith.constant 0 : i32
      %dma_wait3A_36 = tpu.memref_slice %arg6[%dma_wait3A_34, %dma_wait3A_35] : memref<10240x128xf32, #tpu.memory_space<vmem_shared>> -> memref<10240x128xf32, #tpu.memory_space<vmem_shared>>
      tpu.wait_indirect_dma semaphore(%run_scoped3A : memref<!tpu.dma_semaphore, #tpu.memory_space<semaphore_mem>>) src(%arg7 : memref<40x128xf32, #tpu.memory_space<vmem>>) dst(%dma_wait3A_36 : memref<10240x128xf32, #tpu.memory_space<vmem_shared>>)
      tpu.yield
    }) : () -> ()
    %barrier3A_26 = arith.constant 0 : index
    tpu.barrier barrier_id(%barrier3A_26)
    %mul3A_27 = arith.constant 640 : i32
    %mul3A_28 = arith.muli %arg1, %mul3A_27 : i32
    %mul3A_29 = arith.constant 128 : i32
    %mul3A_30 = arith.muli %arg0, %mul3A_29 : i32
    "tpu.region"() ({
      %run_scoped3A = tpu.sem_alloc : memref<!tpu.dma_semaphore, #tpu.memory_space<semaphore_mem>>
      %dma_start3A_31 = tpu.memref_slice %arg5[%mul3A_28, %mul3A_30] : memref<10240x256xf32, #tpu.memory_space<hbm>> -> memref<640x128xf32, #tpu.memory_space<hbm>>
      %dma_start3A_32 = arith.constant 0 : i32
      %dma_start3A_33 = tpu.memref_slice %arg6[%mul3A_28, %dma_start3A_32] : memref<10240x128xf32, #tpu.memory_space<vmem_shared>> -> memref<640x128xf32, #tpu.memory_space<vmem_shared>>
      tpu.enqueue_dma source(%dma_start3A_33 : memref<640x128xf32, #tpu.memory_space<vmem_shared>>) target(%dma_start3A_31 : memref<640x128xf32, #tpu.memory_space<hbm>>) target_semaphore(%run_scoped3A : memref<!tpu.dma_semaphore, #tpu.memory_space<semaphore_mem>>)
      %dma_wait3A_34 = tpu.memref_slice %arg5[%mul3A_28, %mul3A_30] : memref<10240x256xf32, #tpu.memory_space<hbm>> -> memref<640x128xf32, #tpu.memory_space<hbm>>
      %dma_wait3A_35 = arith.constant 0 : i32
      %dma_wait3A_36 = tpu.memref_slice %arg6[%mul3A_28, %dma_wait3A_35] : memref<10240x128xf32, #tpu.memory_space<vmem_shared>> -> memref<640x128xf32, #tpu.memory_space<vmem_shared>>
      tpu.wait_dma2 semaphore(%run_scoped3A : memref<!tpu.dma_semaphore, #tpu.memory_space<semaphore_mem>>) src(%dma_wait3A_36 : memref<640x128xf32, #tpu.memory_space<vmem_shared>>) dst(%dma_wait3A_34 : memref<640x128xf32, #tpu.memory_space<hbm>>)
      tpu.yield
    }) : () -> ()
    return
  }
}

#map = affine_map<(d0, d1) -> (0, 0)>
#map1 = affine_map<(d0, d1) -> (0)>
module attributes {stable_mosaic.version = 14 : i64} {
  func.func @_scatter_stage(%arg0: i32, %arg1: i32, %arg2: memref<160000x384xf32, #tpu.memory_space<hbm>>, %arg3: memref<160000xi32, #tpu.memory_space<hbm>>, %arg4: memref<10240x128xf32, #tpu.memory_space<hbm>>, %arg5: memref<10240x256xf32, #tpu.memory_space<hbm>>, %arg6: memref<10240x128xf32, #tpu.memory_space<vmem_shared>>, %arg7: memref<10000xi32, #tpu.memory_space<vmem>>, %arg8: memref<80x128xf32, #tpu.memory_space<vmem>>, %arg9: memref<80x128xf32, #tpu.memory_space<vmem>>, %arg10: memref<80xi32, #tpu.memory_space<vmem>>, %arg11: memref<80xi32, #tpu.memory_space<vmem>>, %arg12: memref<!tpu.dma_semaphore, #tpu.memory_space<semaphore_mem>>, %arg13: memref<!tpu.dma_semaphore, #tpu.memory_space<semaphore_mem>>) attributes {dimension_semantics = [#tpu.dimension_semantics<core_parallel>, #tpu.dimension_semantics<subcore_parallel>], iteration_bounds = array<i64: 2, 16>, scalar_prefetch = 0 : i64, scratch_operands = 8 : i64, tpu.core_type = #tpu.core_type<sc_vector_subcore>, window_params = [{transform_indices = #map}, {transform_indices = #map1}, {transform_indices = #map}, {transform_indices = #map}]} {
    %mul3A = arith.constant 10000 : i32
    %mul3A_0 = arith.muli %arg1, %mul3A : i32
    %eq3A = arith.constant 0 : i32
    %eq3A_1 = arith.cmpi eq, %arg1, %eq3A : i32
    %convert_element_type3A = arith.extui %eq3A_1 : i1 to i32
    %cond3A = arith.constant 0 : i32
    %cond3A_2 = arith.cmpi ne, %convert_element_type3A, %cond3A : i32
    scf.if %cond3A_2 {
      "tpu.region"() ({
        %run_scoped3A = tpu.sem_alloc : memref<!tpu.dma_semaphore, #tpu.memory_space<semaphore_mem>>
        tpu.enqueue_dma source(%arg4 : memref<10240x128xf32, #tpu.memory_space<hbm>>) target(%arg6 : memref<10240x128xf32, #tpu.memory_space<vmem_shared>>) target_semaphore(%run_scoped3A : memref<!tpu.dma_semaphore, #tpu.memory_space<semaphore_mem>>)
        tpu.wait_dma2 semaphore(%run_scoped3A : memref<!tpu.dma_semaphore, #tpu.memory_space<semaphore_mem>>) src(%arg4 : memref<10240x128xf32, #tpu.memory_space<hbm>>) dst(%arg6 : memref<10240x128xf32, #tpu.memory_space<vmem_shared>>)
        tpu.yield
      }) : () -> ()
    } else {
    }
    "tpu.region"() ({
      %run_scoped3A = tpu.sem_alloc : memref<!tpu.dma_semaphore, #tpu.memory_space<semaphore_mem>>
      %dma_start3A_40 = tpu.memref_slice %arg3[%mul3A_0] : memref<160000xi32, #tpu.memory_space<hbm>> -> memref<10000xi32, #tpu.memory_space<hbm>>
      %dma_start3A_41 = tpu.memref_slice %arg3[%mul3A_0] : memref<160000xi32, #tpu.memory_space<hbm>> -> memref<10000xi32, #tpu.memory_space<hbm>>
      tpu.enqueue_dma source(%dma_start3A_41 : memref<10000xi32, #tpu.memory_space<hbm>>) target(%arg7 : memref<10000xi32, #tpu.memory_space<vmem>>) target_semaphore(%run_scoped3A : memref<!tpu.dma_semaphore, #tpu.memory_space<semaphore_mem>>)
      %dma_wait3A_42 = tpu.memref_slice %arg3[%mul3A_0] : memref<160000xi32, #tpu.memory_space<hbm>> -> memref<10000xi32, #tpu.memory_space<hbm>>
      %dma_wait3A_43 = tpu.memref_slice %arg3[%mul3A_0] : memref<160000xi32, #tpu.memory_space<hbm>> -> memref<10000xi32, #tpu.memory_space<hbm>>
      tpu.wait_dma2 semaphore(%run_scoped3A : memref<!tpu.dma_semaphore, #tpu.memory_space<semaphore_mem>>) src(%dma_wait3A_43 : memref<10000xi32, #tpu.memory_space<hbm>>) dst(%arg7 : memref<10000xi32, #tpu.memory_space<vmem>>)
      tpu.yield
    }) : () -> ()
    %barrier3A = arith.constant 0 : index
    tpu.barrier barrier_id(%barrier3A)
    %add3A = arith.constant 0 : i32
    %add3A_3 = arith.addi %mul3A_0, %add3A : i32
    %mul3A_4 = arith.constant 128 : i32
    %mul3A_5 = arith.muli %arg0, %mul3A_4 : i32
    %dma_start3A = tpu.memref_slice %arg2[%add3A_3, %mul3A_5] : memref<160000x384xf32, #tpu.memory_space<hbm>> -> memref<80x128xf32, #tpu.memory_space<hbm>>
    %dma_start3A_6 = tpu.memref_slice %arg2[%add3A_3, %mul3A_5] : memref<160000x384xf32, #tpu.memory_space<hbm>> -> memref<80x128xf32, #tpu.memory_space<hbm>>
    tpu.enqueue_dma source(%dma_start3A_6 : memref<80x128xf32, #tpu.memory_space<hbm>>) target(%arg8 : memref<80x128xf32, #tpu.memory_space<vmem>>) target_semaphore(%arg12 : memref<!tpu.dma_semaphore, #tpu.memory_space<semaphore_mem>>)
    %get3A = arith.constant 0 : index
    %get3A_7 = tpu.vector_load %arg7[%get3A] {strides = array<i32>} : memref<10000xi32, #tpu.memory_space<vmem>>, vector<16xi32>,
    %swap3A = arith.constant 0 : index
    %swap3A_8 = tpu.vector_load %arg10[%swap3A] {strides = array<i32>} : memref<80xi32, #tpu.memory_space<vmem>>, vector<16xi32>,
    tpu.vector_store %arg10[%swap3A], %get3A_7 {strides = array<i32>} : memref<80xi32, #tpu.memory_space<vmem>>, vector<16xi32>,
    %get3A_9 = arith.constant 16 : index
    %get3A_10 = tpu.vector_load %arg7[%get3A_9] {strides = array<i32>} : memref<10000xi32, #tpu.memory_space<vmem>>, vector<16xi32>,
    %swap3A_11 = arith.constant 16 : index
    %swap3A_12 = tpu.vector_load %arg10[%swap3A_11] {strides = array<i32>} : memref<80xi32, #tpu.memory_space<vmem>>, vector<16xi32>,
    tpu.vector_store %arg10[%swap3A_11], %get3A_10 {strides = array<i32>} : memref<80xi32, #tpu.memory_space<vmem>>, vector<16xi32>,
    %get3A_13 = arith.constant 32 : index
    %get3A_14 = tpu.vector_load %arg7[%get3A_13] {strides = array<i32>} : memref<10000xi32, #tpu.memory_space<vmem>>, vector<16xi32>,
    %swap3A_15 = arith.constant 32 : index
    %swap3A_16 = tpu.vector_load %arg10[%swap3A_15] {strides = array<i32>} : memref<80xi32, #tpu.memory_space<vmem>>, vector<16xi32>,
    tpu.vector_store %arg10[%swap3A_15], %get3A_14 {strides = array<i32>} : memref<80xi32, #tpu.memory_space<vmem>>, vector<16xi32>,
    %get3A_17 = arith.constant 48 : index
    %get3A_18 = tpu.vector_load %arg7[%get3A_17] {strides = array<i32>} : memref<10000xi32, #tpu.memory_space<vmem>>, vector<16xi32>,
    %swap3A_19 = arith.constant 48 : index
    %swap3A_20 = tpu.vector_load %arg10[%swap3A_19] {strides = array<i32>} : memref<80xi32, #tpu.memory_space<vmem>>, vector<16xi32>,
    tpu.vector_store %arg10[%swap3A_19], %get3A_18 {strides = array<i32>} : memref<80xi32, #tpu.memory_space<vmem>>, vector<16xi32>,
    %get3A_21 = arith.constant 64 : index
    %get3A_22 = tpu.vector_load %arg7[%get3A_21] {strides = array<i32>} : memref<10000xi32, #tpu.memory_space<vmem>>, vector<16xi32>,
    %swap3A_23 = arith.constant 64 : index
    %swap3A_24 = tpu.vector_load %arg10[%swap3A_23] {strides = array<i32>} : memref<80xi32, #tpu.memory_space<vmem>>, vector<16xi32>,
    tpu.vector_store %arg10[%swap3A_23], %get3A_22 {strides = array<i32>} : memref<80xi32, #tpu.memory_space<vmem>>, vector<16xi32>,
    %scan3A = arith.constant 0 : i32
    %scan3A_25 = arith.constant 0 : i32
    %scan3A_26 = arith.constant 62 : i32
    %scan3A_27 = arith.addi %scan3A_25, %scan3A_26 : i32
    %scan3A_28 = arith.constant 1 : i32
    scf.for %scan3A_40 = %scan3A_25 to %scan3A_27 step %scan3A_28  : i32 {
      %mul3A_41 = arith.constant 2 : i32
      %mul3A_42 = arith.muli %mul3A_41, %scan3A_40 : i32
      %add3A_43 = arith.constant 1 : i32
      %add3A_44 = arith.addi %mul3A_42, %add3A_43 : i32
      %mul3A_45 = arith.constant 80 : i32
      %mul3A_46 = arith.muli %add3A_44, %mul3A_45 : i32
      %add3A_47 = arith.addi %mul3A_0, %mul3A_46 : i32
      %mul3A_48 = arith.constant 128 : i32
      %mul3A_49 = arith.muli %arg0, %mul3A_48 : i32
      %dma_start3A_50 = tpu.memref_slice %arg2[%add3A_47, %mul3A_49] : memref<160000x384xf32, #tpu.memory_space<hbm>> -> memref<80x128xf32, #tpu.memory_space<hbm>>
      %dma_start3A_51 = tpu.memref_slice %arg2[%add3A_47, %mul3A_49] : memref<160000x384xf32, #tpu.memory_space<hbm>> -> memref<80x128xf32, #tpu.memory_space<hbm>>
      tpu.enqueue_dma source(%dma_start3A_51 : memref<80x128xf32, #tpu.memory_space<hbm>>) target(%arg9 : memref<80x128xf32, #tpu.memory_space<vmem>>) target_semaphore(%arg13 : memref<!tpu.dma_semaphore, #tpu.memory_space<semaphore_mem>>)
      %add3A_52 = arith.constant 1 : i32
      %add3A_53 = arith.addi %mul3A_42, %add3A_52 : i32
      %mul3A_54 = arith.constant 80 : i32
      %mul3A_55 = arith.muli %add3A_53, %mul3A_54 : i32
      %add3A_56 = arith.constant 0 : i32
      %add3A_57 = arith.addi %mul3A_55, %add3A_56 : i32
      %get3A_58 = arith.index_cast %add3A_57 : i32 to index
      %get3A_59 = tpu.vector_load %arg7[%get3A_58] {strides = array<i32>} : memref<10000xi32, #tpu.memory_space<vmem>>, vector<16xi32>,
      %swap3A_60 = arith.constant 0 : index
      %swap3A_61 = tpu.vector_load %arg11[%swap3A_60] {strides = array<i32>} : memref<80xi32, #tpu.memory_space<vmem>>, vector<16xi32>,
      tpu.vector_store %arg11[%swap3A_60], %get3A_59 {strides = array<i32>} : memref<80xi32, #tpu.memory_space<vmem>>, vector<16xi32>,
      %add3A_62 = arith.constant 16 : i32
      %add3A_63 = arith.addi %mul3A_55, %add3A_62 : i32
      %get3A_64 = arith.index_cast %add3A_63 : i32 to index
      %get3A_65 = tpu.vector_load %arg7[%get3A_64] {strides = array<i32>} : memref<10000xi32, #tpu.memory_space<vmem>>, vector<16xi32>,
      %swap3A_66 = arith.constant 16 : index
      %swap3A_67 = tpu.vector_load %arg11[%swap3A_66] {strides = array<i32>} : memref<80xi32, #tpu.memory_space<vmem>>, vector<16xi32>,
      tpu.vector_store %arg11[%swap3A_66], %get3A_65 {strides = array<i32>} : memref<80xi32, #tpu.memory_space<vmem>>, vector<16xi32>,
      %add3A_68 = arith.constant 32 : i32
      %add3A_69 = arith.addi %mul3A_55, %add3A_68 : i32
      %get3A_70 = arith.index_cast %add3A_69 : i32 to index
      %get3A_71 = tpu.vector_load %arg7[%get3A_70] {strides = array<i32>} : memref<10000xi32, #tpu.memory_space<vmem>>, vector<16xi32>,
      %swap3A_72 = arith.constant 32 : index
      %swap3A_73 = tpu.vector_load %arg11[%swap3A_72] {strides = array<i32>} : memref<80xi32, #tpu.memory_space<vmem>>, vector<16xi32>,
      tpu.vector_store %arg11[%swap3A_72], %get3A_71 {strides = array<i32>} : memref<80xi32, #tpu.memory_space<vmem>>, vector<16xi32>,
      %add3A_74 = arith.constant 48 : i32
      %add3A_75 = arith.addi %mul3A_55, %add3A_74 : i32
      %get3A_76 = arith.index_cast %add3A_75 : i32 to index
      %get3A_77 = tpu.vector_load %arg7[%get3A_76] {strides = array<i32>} : memref<10000xi32, #tpu.memory_space<vmem>>, vector<16xi32>,
      %swap3A_78 = arith.constant 48 : index
      %swap3A_79 = tpu.vector_load %arg11[%swap3A_78] {strides = array<i32>} : memref<80xi32, #tpu.memory_space<vmem>>, vector<16xi32>,
      tpu.vector_store %arg11[%swap3A_78], %get3A_77 {strides = array<i32>} : memref<80xi32, #tpu.memory_space<vmem>>, vector<16xi32>,
      %add3A_80 = arith.constant 64 : i32
      %add3A_81 = arith.addi %mul3A_55, %add3A_80 : i32
      %get3A_82 = arith.index_cast %add3A_81 : i32 to index
      %get3A_83 = tpu.vector_load %arg7[%get3A_82] {strides = array<i32>} : memref<10000xi32, #tpu.memory_space<vmem>>, vector<16xi32>,
      %swap3A_84 = arith.constant 64 : index
      %swap3A_85 = tpu.vector_load %arg11[%swap3A_84] {strides = array<i32>} : memref<80xi32, #tpu.memory_space<vmem>>, vector<16xi32>,
      tpu.vector_store %arg11[%swap3A_84], %get3A_83 {strides = array<i32>} : memref<80xi32, #tpu.memory_space<vmem>>, vector<16xi32>,
      %dma_wait3A_86 = arith.constant 0 : i32
      %dma_wait3A_87 = arith.constant 0 : i32
      %dma_wait3A_88 = tpu.memref_slice %arg2[%dma_wait3A_86, %dma_wait3A_87] : memref<160000x384xf32, #tpu.memory_space<hbm>> -> memref<80x128xf32, #tpu.memory_space<hbm>>
      %dma_wait3A_89 = arith.constant 0 : i32
      %dma_wait3A_90 = arith.constant 0 : i32
      %dma_wait3A_91 = tpu.memref_slice %arg2[%dma_wait3A_89, %dma_wait3A_90] : memref<160000x384xf32, #tpu.memory_space<hbm>> -> memref<80x128xf32, #tpu.memory_space<hbm>>
      tpu.wait_dma2 semaphore(%arg12 : memref<!tpu.dma_semaphore, #tpu.memory_space<semaphore_mem>>) src(%dma_wait3A_91 : memref<80x128xf32, #tpu.memory_space<hbm>>) dst(%arg8 : memref<80x128xf32, #tpu.memory_space<vmem>>)
      "tpu.region"() ({
        %run_scoped3A = tpu.sem_alloc : memref<!tpu.dma_semaphore, #tpu.memory_space<semaphore_mem>>
        %dma_start3A_145 = arith.constant 0 : i32
        %dma_start3A_146 = arith.constant 0 : i32
        %dma_start3A_147 = tpu.memref_slice %arg6[%dma_start3A_145, %dma_start3A_146] : memref<10240x128xf32, #tpu.memory_space<vmem_shared>> -> memref<10240x128xf32, #tpu.memory_space<vmem_shared>>
        tpu.enqueue_indirect_dma source(%arg8 : memref<80x128xf32, #tpu.memory_space<vmem>>) target(%dma_start3A_147 : memref<10240x128xf32, #tpu.memory_space<vmem_shared>>) offsets(%arg10 : memref<80xi32, #tpu.memory_space<vmem>>) semaphore(%run_scoped3A : memref<!tpu.dma_semaphore, #tpu.memory_space<semaphore_mem>>) {add = true}
        %dma_wait3A_148 = arith.constant 0 : i32
        %dma_wait3A_149 = arith.constant 0 : i32
        %dma_wait3A_150 = tpu.memref_slice %arg6[%dma_wait3A_148, %dma_wait3A_149] : memref<10240x128xf32, #tpu.memory_space<vmem_shared>> -> memref<10240x128xf32, #tpu.memory_space<vmem_shared>>
        tpu.wait_indirect_dma semaphore(%run_scoped3A : memref<!tpu.dma_semaphore, #tpu.memory_space<semaphore_mem>>) src(%arg8 : memref<80x128xf32, #tpu.memory_space<vmem>>) dst(%dma_wait3A_150 : memref<10240x128xf32, #tpu.memory_space<vmem_shared>>)
        tpu.yield
      }) : () -> ()
      %mul3A_92 = arith.constant 2 : i32
      %mul3A_93 = arith.muli %mul3A_92, %scan3A_40 : i32
      %add3A_94 = arith.constant 1 : i32
      %add3A_95 = arith.addi %mul3A_93, %add3A_94 : i32
      %add3A_96 = arith.constant 1 : i32
      %add3A_97 = arith.addi %add3A_95, %add3A_96 : i32
      %mul3A_98 = arith.constant 80 : i32
      %mul3A_99 = arith.muli %add3A_97, %mul3A_98 : i32
      %add3A_100 = arith.addi %mul3A_0, %mul3A_99 : i32
      %mul3A_101 = arith.constant 128 : i32
      %mul3A_102 = arith.muli %arg0, %mul3A_101 : i32
      %dma_start3A_103 = tpu.memref_slice %arg2[%add3A_100, %mul3A_102] : memref<160000x384xf32, #tpu.memory_space<hbm>> -> memref<80x128xf32, #tpu.memory_space<hbm>>
      %dma_start3A_104 = tpu.memref_slice %arg2[%add3A_100, %mul3A_102] : memref<160000x384xf32, #tpu.memory_space<hbm>> -> memref<80x128xf32, #tpu.memory_space<hbm>>
      tpu.enqueue_dma source(%dma_start3A_104 : memref<80x128xf32, #tpu.memory_space<hbm>>) target(%arg8 : memref<80x128xf32, #tpu.memory_space<vmem>>) target_semaphore(%arg12 : memref<!tpu.dma_semaphore, #tpu.memory_space<semaphore_mem>>)
      %add3A_105 = arith.constant 1 : i32
      %add3A_106 = arith.addi %add3A_95, %add3A_105 : i32
      %mul3A_107 = arith.constant 80 : i32
      %mul3A_108 = arith.muli %add3A_106, %mul3A_107 : i32
      %add3A_109 = arith.constant 0 : i32
      %add3A_110 = arith.addi %mul3A_108, %add3A_109 : i32
      %get3A_111 = arith.index_cast %add3A_110 : i32 to index
      %get3A_112 = tpu.vector_load %arg7[%get3A_111] {strides = array<i32>} : memref<10000xi32, #tpu.memory_space<vmem>>, vector<16xi32>,
      %swap3A_113 = arith.constant 0 : index
      %swap3A_114 = tpu.vector_load %arg10[%swap3A_113] {strides = array<i32>} : memref<80xi32, #tpu.memory_space<vmem>>, vector<16xi32>,
      tpu.vector_store %arg10[%swap3A_113], %get3A_112 {strides = array<i32>} : memref<80xi32, #tpu.memory_space<vmem>>, vector<16xi32>,
      %add3A_115 = arith.constant 16 : i32
      %add3A_116 = arith.addi %mul3A_108, %add3A_115 : i32
      %get3A_117 = arith.index_cast %add3A_116 : i32 to index
      %get3A_118 = tpu.vector_load %arg7[%get3A_117] {strides = array<i32>} : memref<10000xi32, #tpu.memory_space<vmem>>, vector<16xi32>,
      %swap3A_119 = arith.constant 16 : index
      %swap3A_120 = tpu.vector_load %arg10[%swap3A_119] {strides = array<i32>} : memref<80xi32, #tpu.memory_space<vmem>>, vector<16xi32>,
      tpu.vector_store %arg10[%swap3A_119], %get3A_118 {strides = array<i32>} : memref<80xi32, #tpu.memory_space<vmem>>, vector<16xi32>,
      %add3A_121 = arith.constant 32 : i32
      %add3A_122 = arith.addi %mul3A_108, %add3A_121 : i32
      %get3A_123 = arith.index_cast %add3A_122 : i32 to index
      %get3A_124 = tpu.vector_load %arg7[%get3A_123] {strides = array<i32>} : memref<10000xi32, #tpu.memory_space<vmem>>, vector<16xi32>,
      %swap3A_125 = arith.constant 32 : index
      %swap3A_126 = tpu.vector_load %arg10[%swap3A_125] {strides = array<i32>} : memref<80xi32, #tpu.memory_space<vmem>>, vector<16xi32>,
      tpu.vector_store %arg10[%swap3A_125], %get3A_124 {strides = array<i32>} : memref<80xi32, #tpu.memory_space<vmem>>, vector<16xi32>,
      %add3A_127 = arith.constant 48 : i32
      %add3A_128 = arith.addi %mul3A_108, %add3A_127 : i32
      %get3A_129 = arith.index_cast %add3A_128 : i32 to index
      %get3A_130 = tpu.vector_load %arg7[%get3A_129] {strides = array<i32>} : memref<10000xi32, #tpu.memory_space<vmem>>, vector<16xi32>,
      %swap3A_131 = arith.constant 48 : index
      %swap3A_132 = tpu.vector_load %arg10[%swap3A_131] {strides = array<i32>} : memref<80xi32, #tpu.memory_space<vmem>>, vector<16xi32>,
      tpu.vector_store %arg10[%swap3A_131], %get3A_130 {strides = array<i32>} : memref<80xi32, #tpu.memory_space<vmem>>, vector<16xi32>,
      %add3A_133 = arith.constant 64 : i32
      %add3A_134 = arith.addi %mul3A_108, %add3A_133 : i32
      %get3A_135 = arith.index_cast %add3A_134 : i32 to index
      %get3A_136 = tpu.vector_load %arg7[%get3A_135] {strides = array<i32>} : memref<10000xi32, #tpu.memory_space<vmem>>, vector<16xi32>,
      %swap3A_137 = arith.constant 64 : index
      %swap3A_138 = tpu.vector_load %arg10[%swap3A_137] {strides = array<i32>} : memref<80xi32, #tpu.memory_space<vmem>>, vector<16xi32>,
      tpu.vector_store %arg10[%swap3A_137], %get3A_136 {strides = array<i32>} : memref<80xi32, #tpu.memory_space<vmem>>, vector<16xi32>,
      %dma_wait3A_139 = arith.constant 0 : i32
      %dma_wait3A_140 = arith.constant 0 : i32
      %dma_wait3A_141 = tpu.memref_slice %arg2[%dma_wait3A_139, %dma_wait3A_140] : memref<160000x384xf32, #tpu.memory_space<hbm>> -> memref<80x128xf32, #tpu.memory_space<hbm>>
      %dma_wait3A_142 = arith.constant 0 : i32
      %dma_wait3A_143 = arith.constant 0 : i32
      %dma_wait3A_144 = tpu.memref_slice %arg2[%dma_wait3A_142, %dma_wait3A_143] : memref<160000x384xf32, #tpu.memory_space<hbm>> -> memref<80x128xf32, #tpu.memory_space<hbm>>
      tpu.wait_dma2 semaphore(%arg13 : memref<!tpu.dma_semaphore, #tpu.memory_space<semaphore_mem>>) src(%dma_wait3A_144 : memref<80x128xf32, #tpu.memory_space<hbm>>) dst(%arg9 : memref<80x128xf32, #tpu.memory_space<vmem>>)
      "tpu.region"() ({
        %run_scoped3A = tpu.sem_alloc : memref<!tpu.dma_semaphore, #tpu.memory_space<semaphore_mem>>
        %dma_start3A_145 = arith.constant 0 : i32
        %dma_start3A_146 = arith.constant 0 : i32
        %dma_start3A_147 = tpu.memref_slice %arg6[%dma_start3A_145, %dma_start3A_146] : memref<10240x128xf32, #tpu.memory_space<vmem_shared>> -> memref<10240x128xf32, #tpu.memory_space<vmem_shared>>
        tpu.enqueue_indirect_dma source(%arg9 : memref<80x128xf32, #tpu.memory_space<vmem>>) target(%dma_start3A_147 : memref<10240x128xf32, #tpu.memory_space<vmem_shared>>) offsets(%arg11 : memref<80xi32, #tpu.memory_space<vmem>>) semaphore(%run_scoped3A : memref<!tpu.dma_semaphore, #tpu.memory_space<semaphore_mem>>) {add = true}
        %dma_wait3A_148 = arith.constant 0 : i32
        %dma_wait3A_149 = arith.constant 0 : i32
        %dma_wait3A_150 = tpu.memref_slice %arg6[%dma_wait3A_148, %dma_wait3A_149] : memref<10240x128xf32, #tpu.memory_space<vmem_shared>> -> memref<10240x128xf32, #tpu.memory_space<vmem_shared>>
        tpu.wait_indirect_dma semaphore(%run_scoped3A : memref<!tpu.dma_semaphore, #tpu.memory_space<semaphore_mem>>) src(%arg9 : memref<80x128xf32, #tpu.memory_space<vmem>>) dst(%dma_wait3A_150 : memref<10240x128xf32, #tpu.memory_space<vmem_shared>>)
        tpu.yield
      }) : () -> ()
    }
    %scan3A_29 = arith.constant 62 : i32
    %dma_wait3A = arith.constant 0 : i32
    %dma_wait3A_30 = arith.constant 0 : i32
    %dma_wait3A_31 = tpu.memref_slice %arg2[%dma_wait3A, %dma_wait3A_30] : memref<160000x384xf32, #tpu.memory_space<hbm>> -> memref<80x128xf32, #tpu.memory_space<hbm>>
    %dma_wait3A_32 = arith.constant 0 : i32
    %dma_wait3A_33 = arith.constant 0 : i32
    %dma_wait3A_34 = tpu.memref_slice %arg2[%dma_wait3A_32, %dma_wait3A_33] : memref<160000x384xf32, #tpu.memory_space<hbm>> -> memref<80x128xf32, #tpu.memory_space<hbm>>
    tpu.wait_dma2 semaphore(%arg12 : memref<!tpu.dma_semaphore, #tpu.memory_space<semaphore_mem>>) src(%dma_wait3A_34 : memref<80x128xf32, #tpu.memory_space<hbm>>) dst(%arg8 : memref<80x128xf32, #tpu.memory_space<vmem>>)
    "tpu.region"() ({
      %run_scoped3A = tpu.sem_alloc : memref<!tpu.dma_semaphore, #tpu.memory_space<semaphore_mem>>
      %dma_start3A_40 = arith.constant 0 : i32
      %dma_start3A_41 = arith.constant 0 : i32
      %dma_start3A_42 = tpu.memref_slice %arg6[%dma_start3A_40, %dma_start3A_41] : memref<10240x128xf32, #tpu.memory_space<vmem_shared>> -> memref<10240x128xf32, #tpu.memory_space<vmem_shared>>
      tpu.enqueue_indirect_dma source(%arg8 : memref<80x128xf32, #tpu.memory_space<vmem>>) target(%dma_start3A_42 : memref<10240x128xf32, #tpu.memory_space<vmem_shared>>) offsets(%arg10 : memref<80xi32, #tpu.memory_space<vmem>>) semaphore(%run_scoped3A : memref<!tpu.dma_semaphore, #tpu.memory_space<semaphore_mem>>) {add = true}
      %dma_wait3A_43 = arith.constant 0 : i32
      %dma_wait3A_44 = arith.constant 0 : i32
      %dma_wait3A_45 = tpu.memref_slice %arg6[%dma_wait3A_43, %dma_wait3A_44] : memref<10240x128xf32, #tpu.memory_space<vmem_shared>> -> memref<10240x128xf32, #tpu.memory_space<vmem_shared>>
      tpu.wait_indirect_dma semaphore(%run_scoped3A : memref<!tpu.dma_semaphore, #tpu.memory_space<semaphore_mem>>) src(%arg8 : memref<80x128xf32, #tpu.memory_space<vmem>>) dst(%dma_wait3A_45 : memref<10240x128xf32, #tpu.memory_space<vmem_shared>>)
      tpu.yield
    }) : () -> ()
    %barrier3A_35 = arith.constant 0 : index
    tpu.barrier barrier_id(%barrier3A_35)
    %mul3A_36 = arith.constant 640 : i32
    %mul3A_37 = arith.muli %arg1, %mul3A_36 : i32
    %mul3A_38 = arith.constant 128 : i32
    %mul3A_39 = arith.muli %arg0, %mul3A_38 : i32
    "tpu.region"() ({
      %run_scoped3A = tpu.sem_alloc : memref<!tpu.dma_semaphore, #tpu.memory_space<semaphore_mem>>
      %dma_start3A_40 = tpu.memref_slice %arg5[%mul3A_37, %mul3A_39] : memref<10240x256xf32, #tpu.memory_space<hbm>> -> memref<640x128xf32, #tpu.memory_space<hbm>>
      %dma_start3A_41 = arith.constant 0 : i32
      %dma_start3A_42 = tpu.memref_slice %arg6[%mul3A_37, %dma_start3A_41] : memref<10240x128xf32, #tpu.memory_space<vmem_shared>> -> memref<640x128xf32, #tpu.memory_space<vmem_shared>>
      tpu.enqueue_dma source(%dma_start3A_42 : memref<640x128xf32, #tpu.memory_space<vmem_shared>>) target(%dma_start3A_40 : memref<640x128xf32, #tpu.memory_space<hbm>>) target_semaphore(%run_scoped3A : memref<!tpu.dma_semaphore, #tpu.memory_space<semaphore_mem>>)
      %dma_wait3A_43 = tpu.memref_slice %arg5[%mul3A_37, %mul3A_39] : memref<10240x256xf32, #tpu.memory_space<hbm>> -> memref<640x128xf32, #tpu.memory_space<hbm>>
      %dma_wait3A_44 = arith.constant 0 : i32
      %dma_wait3A_45 = tpu.memref_slice %arg6[%mul3A_37, %dma_wait3A_44] : memref<10240x128xf32, #tpu.memory_space<vmem_shared>> -> memref<640x128xf32, #tpu.memory_space<vmem_shared>>
      tpu.wait_dma2 semaphore(%run_scoped3A : memref<!tpu.dma_semaphore, #tpu.memory_space<semaphore_mem>>) src(%dma_wait3A_45 : memref<640x128xf32, #tpu.memory_space<vmem_shared>>) dst(%dma_wait3A_43 : memref<640x128xf32, #tpu.memory_space<hbm>>)
      tpu.yield
    }) : () -> ()
    return
  }
}

module attributes {stable_mosaic.version = 14 : i64} {
  func.func @_node_body(%arg0: i32, %arg1: memref<400x256xf32, #tpu.memory_space<vmem>>, %arg2: memref<8x256xf32, #tpu.memory_space<vmem>>, %arg3: memref<256x256xf32, #tpu.memory_space<vmem>>, %arg4: memref<256x256xf32, #tpu.memory_space<vmem>>, %arg5: memref<256x256xf32, #tpu.memory_space<vmem>>, %arg6: memref<400x128xi32, #tpu.memory_space<vmem>>, %arg7: memref<400x128xi32, #tpu.memory_space<vmem>>, %arg8: memref<400x128xf32, #tpu.memory_space<vmem>>) attributes {dimension_semantics = [#tpu.dimension_semantics<arbitrary>], iteration_bounds = array<i64: 25>, scalar_prefetch = 0 : i64, scratch_operands = 0 : i64, tpu.core_type = #tpu.core_type<tc>, window_params = [{transform_indices = @transform_0, window_bounds = array<i64: 400, 256>}, {pipeline_mode = #tpu.pipeline_mode<synchronous>, transform_indices = @transform_1, window_bounds = array<i64: 8, 256>}, {pipeline_mode = #tpu.pipeline_mode<synchronous>, transform_indices = @transform_2, window_bounds = array<i64: 256, 256>}, {pipeline_mode = #tpu.pipeline_mode<synchronous>, transform_indices = @transform_3, window_bounds = array<i64: 256, 256>}, {pipeline_mode = #tpu.pipeline_mode<synchronous>, transform_indices = @transform_4, window_bounds = array<i64: 256, 256>}, {transform_indices = @transform_5, window_bounds = array<i64: 400, 128>}, {transform_indices = @transform_6, window_bounds = array<i64: 400, 128>}, {transform_indices = @transform_7, window_bounds = array<i64: 400, 128>}]} {
    %get3A = arith.constant 0 : index
    %get3A_0 = arith.constant 0 : index
    %get3A_1 = vector.load %arg1[%get3A, %get3A_0] : memref<400x256xf32, #tpu.memory_space<vmem>>, vector<400x256xf32>
    %get3A_2 = arith.constant 0 : index
    %get3A_3 = arith.constant 0 : index
    %get3A_4 = vector.load %arg2[%get3A_2, %get3A_3] : memref<8x256xf32, #tpu.memory_space<vmem>>, vector<1x256xf32>
    %get3A_5 = arith.constant 1 : index
    %get3A_6 = arith.constant 0 : index
    %get3A_7 = vector.load %arg2[%get3A_5, %get3A_6] : memref<8x256xf32, #tpu.memory_space<vmem>>, vector<1x256xf32>
    %get3A_8 = arith.constant 2 : index
    %get3A_9 = arith.constant 0 : index
    %get3A_10 = vector.load %arg2[%get3A_8, %get3A_9] : memref<8x256xf32, #tpu.memory_space<vmem>>, vector<1x256xf32>
    %get3A_11 = arith.constant 3 : index
    %get3A_12 = arith.constant 0 : index
    %get3A_13 = vector.load %arg2[%get3A_11, %get3A_12] : memref<8x256xf32, #tpu.memory_space<vmem>>, vector<1x256xf32>
    %reduce_sum3A = arith.constant dense<0.000000e+00> : vector<400xf32>
    %reduce_sum3A_14 = vector.multi_reduction <add>, %get3A_1, %reduce_sum3A [1] : vector<400x256xf32> to vector<400xf32>
    %broadcast_in_dim3A = vector.shape_cast %reduce_sum3A_14 : vector<400xf32> to vector<400x1xf32>
    %div3A = arith.constant 2.560000e+02 : f32
    %div3A_15 = vector.broadcast %div3A : f32 to vector<400x1xf32>
    %div3A_16 = arith.divf %broadcast_in_dim3A, %div3A_15 : vector<400x1xf32>
    %sub3A = vector.broadcast %div3A_16 : vector<400x1xf32> to vector<400x256xf32>
    %sub3A_17 = arith.subf %get3A_1, %sub3A : vector<400x256xf32>
    %mul3A = arith.mulf %sub3A_17, %sub3A_17 : vector<400x256xf32>
    %reduce_sum3A_18 = arith.constant dense<0.000000e+00> : vector<400xf32>
    %reduce_sum3A_19 = vector.multi_reduction <add>, %mul3A, %reduce_sum3A_18 [1] : vector<400x256xf32> to vector<400xf32>
    %broadcast_in_dim3A_20 = vector.shape_cast %reduce_sum3A_19 : vector<400xf32> to vector<400x1xf32>
    %div3A_21 = arith.constant 2.560000e+02 : f32
    %div3A_22 = vector.broadcast %div3A_21 : f32 to vector<400x1xf32>
    %div3A_23 = arith.divf %broadcast_in_dim3A_20, %div3A_22 : vector<400x1xf32>
    %add3A = arith.constant 9.99999974E-6 : f32
    %add3A_24 = vector.broadcast %add3A : f32 to vector<400x1xf32>
    %add3A_25 = arith.addf %div3A_23, %add3A_24 : vector<400x1xf32>
    %rsqrt3A = math.rsqrt %add3A_25 : vector<400x1xf32>
    %mul3A_26 = vector.broadcast %rsqrt3A : vector<400x1xf32> to vector<400x256xf32>
    %mul3A_27 = arith.mulf %sub3A_17, %mul3A_26 : vector<400x256xf32>
    %mul3A_28 = vector.broadcast %get3A_4 : vector<1x256xf32> to vector<400x256xf32>
    %mul3A_29 = arith.mulf %mul3A_27, %mul3A_28 : vector<400x256xf32>
    %add3A_30 = vector.broadcast %get3A_7 : vector<1x256xf32> to vector<400x256xf32>
    %add3A_31 = arith.addf %mul3A_29, %add3A_30 : vector<400x256xf32>
    %get3A_32 = arith.constant 0 : index
    %get3A_33 = arith.constant 0 : index
    %get3A_34 = vector.load %arg3[%get3A_32, %get3A_33] : memref<256x256xf32, #tpu.memory_space<vmem>>, vector<256x256xf32>
    %dot_general3A = arith.constant dense<0.000000e+00> : vector<400x256xf32>
    %dot_general3A_35 = tpu.matmul %add3A_31, %get3A_34, %dot_general3A {dimension_numbers = #tpu.dot_dimension_numbers<[1], [0], [0], [1], [0, 0, 1, 1], [], []>, transpose_lhs_hint = false} : vector<400x256xf32>, vector<256x256xf32>, vector<400x256xf32> -> vector<400x256xf32>
    %get3A_36 = arith.constant 0 : index
    %get3A_37 = arith.constant 0 : index
    %get3A_38 = vector.load %arg4[%get3A_36, %get3A_37] : memref<256x256xf32, #tpu.memory_space<vmem>>, vector<256x256xf32>
    %dot_general3A_39 = arith.constant dense<0.000000e+00> : vector<400x256xf32>
    %dot_general3A_40 = tpu.matmul %add3A_31, %get3A_38, %dot_general3A_39 {dimension_numbers = #tpu.dot_dimension_numbers<[1], [0], [0], [1], [0, 0, 1, 1], [], []>, transpose_lhs_hint = false} : vector<400x256xf32>, vector<256x256xf32>, vector<400x256xf32> -> vector<400x256xf32>
    %add3A_41 = vector.broadcast %get3A_10 : vector<1x256xf32> to vector<400x256xf32>
    %add3A_42 = arith.addf %dot_general3A_40, %add3A_41 : vector<400x256xf32>
    %get3A_43 = arith.constant 0 : index
    %get3A_44 = arith.constant 0 : index
    %get3A_45 = vector.load %arg5[%get3A_43, %get3A_44] : memref<256x256xf32, #tpu.memory_space<vmem>>, vector<256x256xf32>
    %dot_general3A_46 = arith.constant dense<0.000000e+00> : vector<400x256xf32>
    %dot_general3A_47 = tpu.matmul %add3A_42, %get3A_45, %dot_general3A_46 {dimension_numbers = #tpu.dot_dimension_numbers<[1], [0], [0], [1], [0, 0, 1, 1], [], []>, transpose_lhs_hint = false} : vector<400x256xf32>, vector<256x256xf32>, vector<400x256xf32> -> vector<400x256xf32>
    %convert_element_type3A = arith.truncf %dot_general3A_35 : vector<400x256xf32> to vector<400x256xbf16>
    %bitcast_convert_type3A = tpu.bitcast %convert_element_type3A : vector<400x256xbf16> -> vector<400x256xi16>
    %convert_element_type3A_48 = arith.extui %bitcast_convert_type3A : vector<400x256xi16> to vector<400x256xi32>
    %slice3A = vector.extract_strided_slice %convert_element_type3A_48 {offsets = [0, 128], sizes = [400, 128], strides = [1, 1]} : vector<400x256xi32> to vector<400x128xi32>
    %shift_left3A = arith.constant 16 : i32
    %shift_left3A_49 = vector.broadcast %shift_left3A : i32 to vector<400x128xi32>
    %shift_left3A_50 = arith.shli %slice3A, %shift_left3A_49 : vector<400x128xi32>
    %slice3A_51 = vector.extract_strided_slice %convert_element_type3A_48 {offsets = [0, 0], sizes = [400, 128], strides = [1, 1]} : vector<400x256xi32> to vector<400x128xi32>
    %or3A = arith.ori %shift_left3A_50, %slice3A_51 : vector<400x128xi32>
    %swap3A = arith.constant 0 : index
    %swap3A_52 = arith.constant 0 : index
    %swap3A_53 = vector.load %arg6[%swap3A, %swap3A_52] : memref<400x128xi32, #tpu.memory_space<vmem>>, vector<400x128xi32>
    tpu.vector_store %arg6[%swap3A, %swap3A_52], %or3A {strides = array<i32>} : memref<400x128xi32, #tpu.memory_space<vmem>>, vector<400x128xi32>,
    %convert_element_type3A_54 = arith.truncf %dot_general3A_47 : vector<400x256xf32> to vector<400x256xbf16>
    %bitcast_convert_type3A_55 = tpu.bitcast %convert_element_type3A_54 : vector<400x256xbf16> -> vector<400x256xi16>
    %convert_element_type3A_56 = arith.extui %bitcast_convert_type3A_55 : vector<400x256xi16> to vector<400x256xi32>
    %slice3A_57 = vector.extract_strided_slice %convert_element_type3A_56 {offsets = [0, 128], sizes = [400, 128], strides = [1, 1]} : vector<400x256xi32> to vector<400x128xi32>
    %shift_left3A_58 = arith.constant 16 : i32
    %shift_left3A_59 = vector.broadcast %shift_left3A_58 : i32 to vector<400x128xi32>
    %shift_left3A_60 = arith.shli %slice3A_57, %shift_left3A_59 : vector<400x128xi32>
    %slice3A_61 = vector.extract_strided_slice %convert_element_type3A_56 {offsets = [0, 0], sizes = [400, 128], strides = [1, 1]} : vector<400x256xi32> to vector<400x128xi32>
    %or3A_62 = arith.ori %shift_left3A_60, %slice3A_61 : vector<400x128xi32>
    %swap3A_63 = arith.constant 0 : index
    %swap3A_64 = arith.constant 0 : index
    %swap3A_65 = vector.load %arg7[%swap3A_63, %swap3A_64] : memref<400x128xi32, #tpu.memory_space<vmem>>, vector<400x128xi32>
    tpu.vector_store %arg7[%swap3A_63, %swap3A_64], %or3A_62 {strides = array<i32>} : memref<400x128xi32, #tpu.memory_space<vmem>>, vector<400x128xi32>,
    %mul3A_66 = vector.broadcast %get3A_13 : vector<1x256xf32> to vector<400x256xf32>
    %mul3A_67 = arith.mulf %add3A_42, %mul3A_66 : vector<400x256xf32>
    %reduce_sum3A_68 = arith.constant dense<0.000000e+00> : vector<400xf32>
    %reduce_sum3A_69 = vector.multi_reduction <add>, %mul3A_67, %reduce_sum3A_68 [1] : vector<400x256xf32> to vector<400xf32>
    %broadcast_in_dim3A_70 = vector.shape_cast %reduce_sum3A_69 : vector<400xf32> to vector<400x1xf32>
    %broadcast_in_dim3A_71 = vector.shape_cast %broadcast_in_dim3A_70 : vector<400x1xf32> to vector<400x1xf32>
    %broadcast_in_dim3A_72 = vector.broadcast %broadcast_in_dim3A_71 : vector<400x1xf32> to vector<400x128xf32>
    %swap3A_73 = arith.constant 0 : index
    %swap3A_74 = arith.constant 0 : index
    %swap3A_75 = vector.load %arg8[%swap3A_73, %swap3A_74] : memref<400x128xf32, #tpu.memory_space<vmem>>, vector<400x128xf32>
    tpu.vector_store %arg8[%swap3A_73, %swap3A_74], %broadcast_in_dim3A_72 {strides = array<i32>} : memref<400x128xf32, #tpu.memory_space<vmem>>, vector<400x128xf32>,
    return
  }
  func.func @transform_0(%arg0: i32) -> (i32, i32) {
    %c0_i32 = arith.constant 0 : i32
    %c0_i32_0 = arith.constant 0 : i32
    return %arg0, %c0_i32 : i32, i32
  }
  func.func @transform_1(%arg0: i32) -> (i32, i32) {
    %c0_i32 = arith.constant 0 : i32
    %c0_i32_0 = arith.constant 0 : i32
    %c0_i32_1 = arith.constant 0 : i32
    return %c0_i32, %c0_i32_0 : i32, i32
  }
  func.func @transform_2(%arg0: i32) -> (i32, i32) {
    %c0_i32 = arith.constant 0 : i32
    %c0_i32_0 = arith.constant 0 : i32
    %c0_i32_1 = arith.constant 0 : i32
    return %c0_i32, %c0_i32_0 : i32, i32
  }
  func.func @transform_3(%arg0: i32) -> (i32, i32) {
    %c0_i32 = arith.constant 0 : i32
    %c0_i32_0 = arith.constant 0 : i32
    %c0_i32_1 = arith.constant 0 : i32
    return %c0_i32, %c0_i32_0 : i32, i32
  }
  func.func @transform_4(%arg0: i32) -> (i32, i32) {
    %c0_i32 = arith.constant 0 : i32
    %c0_i32_0 = arith.constant 0 : i32
    %c0_i32_1 = arith.constant 0 : i32
    return %c0_i32, %c0_i32_0 : i32, i32
  }
  func.func @transform_5(%arg0: i32) -> (i32, i32) {
    %c0_i32 = arith.constant 0 : i32
    %c0_i32_0 = arith.constant 0 : i32
    return %arg0, %c0_i32 : i32, i32
  }
  func.func @transform_6(%arg0: i32) -> (i32, i32) {
    %c0_i32 = arith.constant 0 : i32
    %c0_i32_0 = arith.constant 0 : i32
    return %arg0, %c0_i32 : i32, i32
  }
  func.func @transform_7(%arg0: i32) -> (i32, i32) {
    %c0_i32 = arith.constant 0 : i32
    %c0_i32_0 = arith.constant 0 : i32
    return %arg0, %c0_i32 : i32, i32
  }
}

module attributes {stable_mosaic.version = 14 : i64} {
  func.func @_edge_body(%arg0: i32, %arg1: memref<640x128xi32, #tpu.memory_space<vmem>>, %arg2: memref<640x128xi32, #tpu.memory_space<vmem>>, %arg3: memref<640x2xf32, #tpu.memory_space<vmem>>, %arg4: memref<16x640xf32, #tpu.memory_space<vmem>>, %arg5: memref<16x256xf32, #tpu.memory_space<vmem>>, %arg6: memref<8x256xf32, #tpu.memory_space<vmem>>, %arg7: memref<640x384xf32, #tpu.memory_space<vmem>>) attributes {dimension_semantics = [#tpu.dimension_semantics<arbitrary>], iteration_bounds = array<i64: 250>, scalar_prefetch = 0 : i64, scratch_operands = 0 : i64, tpu.core_type = #tpu.core_type<tc>, window_params = [{transform_indices = @transform_0, window_bounds = array<i64: 640, 128>}, {transform_indices = @transform_1, window_bounds = array<i64: 640, 128>}, {transform_indices = @transform_2, window_bounds = array<i64: 640, 2>}, {transform_indices = @transform_3, window_bounds = array<i64: 16, 640>}, {pipeline_mode = #tpu.pipeline_mode<synchronous>, transform_indices = @transform_4, window_bounds = array<i64: 16, 256>}, {pipeline_mode = #tpu.pipeline_mode<synchronous>, transform_indices = @transform_5, window_bounds = array<i64: 8, 256>}, {transform_indices = @transform_6, window_bounds = array<i64: 640, 384>}]} {
    %get3A = arith.constant 4 : index
    %get3A_0 = arith.constant 0 : index
    %get3A_1 = vector.load %arg6[%get3A, %get3A_0] : memref<8x256xf32, #tpu.memory_space<vmem>>, vector<1x256xf32>
    %get3A_2 = arith.constant 0 : index
    %get3A_3 = arith.constant 0 : index
    %get3A_4 = vector.load %arg4[%get3A_2, %get3A_3] : memref<16x640xf32, #tpu.memory_space<vmem>>, vector<16x640xf32>
    %get3A_5 = arith.constant 0 : index
    %get3A_6 = arith.constant 0 : index
    %get3A_7 = vector.load %arg5[%get3A_5, %get3A_6] : memref<16x256xf32, #tpu.memory_space<vmem>>, vector<16x256xf32>
    %dot_general3A = arith.constant dense<0.000000e+00> : vector<640x256xf32>
    %dot_general3A_8 = tpu.matmul %get3A_4, %get3A_7, %dot_general3A {dimension_numbers = #tpu.dot_dimension_numbers<[0], [0], [1], [1], [0, 1, 1, 1], [], []>, transpose_lhs_hint = false} : vector<16x640xf32>, vector<16x256xf32>, vector<640x256xf32> -> vector<640x256xf32>
    %get3A_9 = arith.constant 0 : index
    %get3A_10 = arith.constant 0 : index
    %get3A_11 = vector.load %arg1[%get3A_9, %get3A_10] : memref<640x128xi32, #tpu.memory_space<vmem>>, vector<640x128xi32>
    %shift_left3A = arith.constant 16 : i32
    %shift_left3A_12 = vector.broadcast %shift_left3A : i32 to vector<640x128xi32>
    %shift_left3A_13 = arith.shli %get3A_11, %shift_left3A_12 : vector<640x128xi32>
    %bitcast_convert_type3A = tpu.bitcast %shift_left3A_13 : vector<640x128xi32> -> vector<640x128xf32>
    %and3A = arith.constant -65536 : i32
    %and3A_14 = vector.broadcast %and3A : i32 to vector<640x128xi32>
    %and3A_15 = arith.andi %get3A_11, %and3A_14 : vector<640x128xi32>
    %bitcast_convert_type3A_16 = tpu.bitcast %and3A_15 : vector<640x128xi32> -> vector<640x128xf32>
    %concatenate3A = tpu.concatenate %bitcast_convert_type3A, %bitcast_convert_type3A_16 in 1 : vector<640x128xf32>, vector<640x128xf32> -> vector<640x256xf32>
    %get3A_17 = arith.constant 0 : index
    %get3A_18 = arith.constant 0 : index
    %get3A_19 = vector.load %arg2[%get3A_17, %get3A_18] : memref<640x128xi32, #tpu.memory_space<vmem>>, vector<640x128xi32>
    %shift_left3A_20 = arith.constant 16 : i32
    %shift_left3A_21 = vector.broadcast %shift_left3A_20 : i32 to vector<640x128xi32>
    %shift_left3A_22 = arith.shli %get3A_19, %shift_left3A_21 : vector<640x128xi32>
    %bitcast_convert_type3A_23 = tpu.bitcast %shift_left3A_22 : vector<640x128xi32> -> vector<640x128xf32>
    %and3A_24 = arith.constant -65536 : i32
    %and3A_25 = vector.broadcast %and3A_24 : i32 to vector<640x128xi32>
    %and3A_26 = arith.andi %get3A_19, %and3A_25 : vector<640x128xi32>
    %bitcast_convert_type3A_27 = tpu.bitcast %and3A_26 : vector<640x128xi32> -> vector<640x128xf32>
    %concatenate3A_28 = tpu.concatenate %bitcast_convert_type3A_23, %bitcast_convert_type3A_27 in 1 : vector<640x128xf32>, vector<640x128xf32> -> vector<640x256xf32>
    %add3A = arith.addf %concatenate3A, %dot_general3A_8 : vector<640x256xf32>
    %add3A_29 = vector.broadcast %get3A_1 : vector<1x256xf32> to vector<640x256xf32>
    %add3A_30 = arith.addf %add3A, %add3A_29 : vector<640x256xf32>
    %mul3A = arith.constant 5.000000e-01 : f32
    %mul3A_31 = vector.broadcast %mul3A : f32 to vector<640x256xf32>
    %mul3A_32 = arith.mulf %mul3A_31, %add3A_30 : vector<640x256xf32>
    %mul3A_33 = arith.constant 0.707106769 : f32
    %mul3A_34 = vector.broadcast %mul3A_33 : f32 to vector<640x256xf32>
    %mul3A_35 = arith.mulf %add3A_30, %mul3A_34 : vector<640x256xf32>
    %erf3A = math.erf %mul3A_35 : vector<640x256xf32>
    %add3A_36 = arith.constant 1.000000e+00 : f32
    %add3A_37 = vector.broadcast %add3A_36 : f32 to vector<640x256xf32>
    %add3A_38 = arith.addf %add3A_37, %erf3A : vector<640x256xf32>
    %mul3A_39 = arith.mulf %mul3A_32, %add3A_38 : vector<640x256xf32>
    %mul3A_40 = arith.mulf %mul3A_39, %concatenate3A_28 : vector<640x256xf32>
    %reduce_sum3A = arith.constant dense<0.000000e+00> : vector<640xf32>
    %reduce_sum3A_41 = vector.multi_reduction <add>, %mul3A_40, %reduce_sum3A [1] : vector<640x256xf32> to vector<640xf32>
    %broadcast_in_dim3A = vector.shape_cast %reduce_sum3A_41 : vector<640xf32> to vector<640x1xf32>
    %get3A_42 = arith.constant 0 : index
    %get3A_43 = arith.constant 0 : index
    %get3A_44 = vector.load %arg3[%get3A_42, %get3A_43] : memref<640x2xf32, #tpu.memory_space<vmem>>, vector<640x1xf32>
    %mul3A_45 = arith.mulf %broadcast_in_dim3A, %get3A_44 : vector<640x1xf32>
    %get3A_46 = arith.constant 0 : index
    %get3A_47 = arith.constant 1 : index
    %get3A_48 = vector.load %arg3[%get3A_46, %get3A_47] : memref<640x2xf32, #tpu.memory_space<vmem>>, vector<640x1xf32>
    %add3A_49 = arith.addf %mul3A_45, %get3A_48 : vector<640x1xf32>
    %exp3A = math.exp %add3A_49 : vector<640x1xf32>
    %mul3A_50 = vector.broadcast %exp3A : vector<640x1xf32> to vector<640x256xf32>
    %mul3A_51 = arith.mulf %mul3A_39, %mul3A_50 : vector<640x256xf32>
    %swap3A = arith.constant 0 : index
    %swap3A_52 = arith.constant 0 : index
    %swap3A_53 = vector.load %arg7[%swap3A, %swap3A_52] : memref<640x384xf32, #tpu.memory_space<vmem>>, vector<640x256xf32>
    tpu.vector_store %arg7[%swap3A, %swap3A_52], %mul3A_51 {strides = array<i32>} : memref<640x384xf32, #tpu.memory_space<vmem>>, vector<640x256xf32>,
    %iota3A = tpu.iota {dimensions = array<i32: 1>} : vector<640x128xi32>
    %eq3A = arith.constant 0 : i32
    %eq3A_54 = vector.broadcast %eq3A : i32 to vector<640x128xi32>
    %eq3A_55 = arith.cmpi eq, %iota3A, %eq3A_54 : vector<640x128xi32>
    %jit3A = arith.constant 0.000000e+00 : f32
    %broadcast_in_dim3A_56 = vector.shape_cast %exp3A : vector<640x1xf32> to vector<640x1xf32>
    %broadcast_in_dim3A_57 = vector.broadcast %broadcast_in_dim3A_56 : vector<640x1xf32> to vector<640x128xf32>
    %broadcast_in_dim3A_58 = vector.broadcast %jit3A : f32 to vector<640x128xf32>
    %select_n3A = arith.select %eq3A_55, %broadcast_in_dim3A_57, %broadcast_in_dim3A_58 : vector<640x128xi1>, vector<640x128xf32>
    %swap3A_59 = arith.constant 0 : index
    %swap3A_60 = arith.constant 256 : index
    %swap3A_61 = vector.load %arg7[%swap3A_59, %swap3A_60] : memref<640x384xf32, #tpu.memory_space<vmem>>, vector<640x128xf32>
    tpu.vector_store %arg7[%swap3A_59, %swap3A_60], %select_n3A {strides = array<i32>} : memref<640x384xf32, #tpu.memory_space<vmem>>, vector<640x128xf32>,
    return
  }
  func.func @transform_0(%arg0: i32) -> (i32, i32) {
    %c0_i32 = arith.constant 0 : i32
    %c0_i32_0 = arith.constant 0 : i32
    return %arg0, %c0_i32 : i32, i32
  }
  func.func @transform_1(%arg0: i32) -> (i32, i32) {
    %c0_i32 = arith.constant 0 : i32
    %c0_i32_0 = arith.constant 0 : i32
    return %arg0, %c0_i32 : i32, i32
  }
  func.func @transform_2(%arg0: i32) -> (i32, i32) {
    %c0_i32 = arith.constant 0 : i32
    %c0_i32_0 = arith.constant 0 : i32
    return %arg0, %c0_i32 : i32, i32
  }
  func.func @transform_3(%arg0: i32) -> (i32, i32) {
    %c0_i32 = arith.constant 0 : i32
    %c0_i32_0 = arith.constant 0 : i32
    return %c0_i32, %arg0 : i32, i32
  }
  func.func @transform_4(%arg0: i32) -> (i32, i32) {
    %c0_i32 = arith.constant 0 : i32
    %c0_i32_0 = arith.constant 0 : i32
    %c0_i32_1 = arith.constant 0 : i32
    return %c0_i32, %c0_i32_0 : i32, i32
  }
  func.func @transform_5(%arg0: i32) -> (i32, i32) {
    %c0_i32 = arith.constant 0 : i32
    %c0_i32_0 = arith.constant 0 : i32
    %c0_i32_1 = arith.constant 0 : i32
    return %c0_i32, %c0_i32_0 : i32, i32
  }
  func.func @transform_6(%arg0: i32) -> (i32, i32) {
    %c0_i32 = arith.constant 0 : i32
    %c0_i32_0 = arith.constant 0 : i32
    return %arg0, %c0_i32 : i32, i32
  }
}

module attributes {stable_mosaic.version = 14 : i64} {
  func.func @_final_body(%arg0: i32, %arg1: memref<400x256xf32, #tpu.memory_space<vmem>>, %arg2: memref<400x256xf32, #tpu.memory_space<vmem>>, %arg3: memref<400x256xf32, #tpu.memory_space<vmem>>, %arg4: memref<256x256xf32, #tpu.memory_space<vmem>>, %arg5: memref<8x256xf32, #tpu.memory_space<vmem>>, %arg6: memref<400x256xf32, #tpu.memory_space<vmem>>) attributes {dimension_semantics = [#tpu.dimension_semantics<arbitrary>], iteration_bounds = array<i64: 25>, scalar_prefetch = 0 : i64, scratch_operands = 0 : i64, tpu.core_type = #tpu.core_type<tc>, window_params = [{transform_indices = @transform_0, window_bounds = array<i64: 400, 256>}, {transform_indices = @transform_1, window_bounds = array<i64: 400, 256>}, {transform_indices = @transform_2, window_bounds = array<i64: 400, 256>}, {pipeline_mode = #tpu.pipeline_mode<synchronous>, transform_indices = @transform_3, window_bounds = array<i64: 256, 256>}, {pipeline_mode = #tpu.pipeline_mode<synchronous>, transform_indices = @transform_4, window_bounds = array<i64: 8, 256>}, {transform_indices = @transform_5, window_bounds = array<i64: 400, 256>}]} {
    %get3A = arith.constant 5 : index
    %get3A_0 = arith.constant 0 : index
    %get3A_1 = vector.load %arg5[%get3A, %get3A_0] : memref<8x256xf32, #tpu.memory_space<vmem>>, vector<1x256xf32>
    %get3A_2 = arith.constant 0 : index
    %get3A_3 = arith.constant 0 : index
    %get3A_4 = vector.load %arg3[%get3A_2, %get3A_3] : memref<400x256xf32, #tpu.memory_space<vmem>>, vector<400x1xf32>
    %get3A_5 = arith.constant 0 : index
    %get3A_6 = arith.constant 128 : index
    %get3A_7 = vector.load %arg3[%get3A_5, %get3A_6] : memref<400x256xf32, #tpu.memory_space<vmem>>, vector<400x1xf32>
    %add3A = arith.addf %get3A_4, %get3A_7 : vector<400x1xf32>
    %add3A_8 = arith.constant 1.000000e-16 : f32
    %add3A_9 = vector.broadcast %add3A_8 : f32 to vector<400x1xf32>
    %add3A_10 = arith.addf %add3A, %add3A_9 : vector<400x1xf32>
    %div3A = arith.constant 1.000000e+00 : f32
    %div3A_11 = vector.broadcast %div3A : f32 to vector<400x1xf32>
    %div3A_12 = arith.divf %div3A_11, %add3A_10 : vector<400x1xf32>
    %get3A_13 = arith.constant 0 : index
    %get3A_14 = arith.constant 0 : index
    %get3A_15 = vector.load %arg2[%get3A_13, %get3A_14] : memref<400x256xf32, #tpu.memory_space<vmem>>, vector<400x256xf32>
    %mul3A = vector.broadcast %div3A_12 : vector<400x1xf32> to vector<400x256xf32>
    %mul3A_16 = arith.mulf %get3A_15, %mul3A : vector<400x256xf32>
    %get3A_17 = arith.constant 0 : index
    %get3A_18 = arith.constant 0 : index
    %get3A_19 = vector.load %arg4[%get3A_17, %get3A_18] : memref<256x256xf32, #tpu.memory_space<vmem>>, vector<256x256xf32>
    %dot_general3A = arith.constant dense<0.000000e+00> : vector<400x256xf32>
    %dot_general3A_20 = tpu.matmul %mul3A_16, %get3A_19, %dot_general3A {dimension_numbers = #tpu.dot_dimension_numbers<[1], [0], [0], [1], [0, 0, 1, 1], [], []>, transpose_lhs_hint = false} : vector<400x256xf32>, vector<256x256xf32>, vector<400x256xf32> -> vector<400x256xf32>
    %mul3A_21 = arith.mulf %add3A, %div3A_12 : vector<400x1xf32>
    %mul3A_22 = vector.broadcast %get3A_1 : vector<1x256xf32> to vector<400x256xf32>
    %mul3A_23 = vector.broadcast %mul3A_21 : vector<400x1xf32> to vector<400x256xf32>
    %mul3A_24 = arith.mulf %mul3A_22, %mul3A_23 : vector<400x256xf32>
    %add3A_25 = arith.addf %dot_general3A_20, %mul3A_24 : vector<400x256xf32>
    %get3A_26 = arith.constant 0 : index
    %get3A_27 = arith.constant 0 : index
    %get3A_28 = vector.load %arg1[%get3A_26, %get3A_27] : memref<400x256xf32, #tpu.memory_space<vmem>>, vector<400x256xf32>
    %mul3A_29 = arith.constant 5.000000e-01 : f32
    %mul3A_30 = vector.broadcast %mul3A_29 : f32 to vector<400x256xf32>
    %mul3A_31 = arith.mulf %mul3A_30, %add3A_25 : vector<400x256xf32>
    %mul3A_32 = arith.constant 0.707106769 : f32
    %mul3A_33 = vector.broadcast %mul3A_32 : f32 to vector<400x256xf32>
    %mul3A_34 = arith.mulf %add3A_25, %mul3A_33 : vector<400x256xf32>
    %erf3A = math.erf %mul3A_34 : vector<400x256xf32>
    %add3A_35 = arith.constant 1.000000e+00 : f32
    %add3A_36 = vector.broadcast %add3A_35 : f32 to vector<400x256xf32>
    %add3A_37 = arith.addf %add3A_36, %erf3A : vector<400x256xf32>
    %mul3A_38 = arith.mulf %mul3A_31, %add3A_37 : vector<400x256xf32>
    %add3A_39 = arith.addf %get3A_28, %mul3A_38 : vector<400x256xf32>
    %swap3A = arith.constant 0 : index
    %swap3A_40 = arith.constant 0 : index
    %swap3A_41 = vector.load %arg6[%swap3A, %swap3A_40] : memref<400x256xf32, #tpu.memory_space<vmem>>, vector<400x256xf32>
    tpu.vector_store %arg6[%swap3A, %swap3A_40], %add3A_39 {strides = array<i32>} : memref<400x256xf32, #tpu.memory_space<vmem>>, vector<400x256xf32>,
    return
  }
  func.func @transform_0(%arg0: i32) -> (i32, i32) {
    %c0_i32 = arith.constant 0 : i32
    %c0_i32_0 = arith.constant 0 : i32
    return %arg0, %c0_i32 : i32, i32
  }
  func.func @transform_1(%arg0: i32) -> (i32, i32) {
    %c0_i32 = arith.constant 0 : i32
    %c0_i32_0 = arith.constant 0 : i32
    return %arg0, %c0_i32 : i32, i32
  }
  func.func @transform_2(%arg0: i32) -> (i32, i32) {
    %c0_i32 = arith.constant 0 : i32
    %c0_i32_0 = arith.constant 0 : i32
    return %arg0, %c0_i32 : i32, i32
  }
  func.func @transform_3(%arg0: i32) -> (i32, i32) {
    %c0_i32 = arith.constant 0 : i32
    %c0_i32_0 = arith.constant 0 : i32
    %c0_i32_1 = arith.constant 0 : i32
    return %c0_i32, %c0_i32_0 : i32, i32
  }
  func.func @transform_4(%arg0: i32) -> (i32, i32) {
    %c0_i32 = arith.constant 0 : i32
    %c0_i32_0 = arith.constant 0 : i32
    %c0_i32_1 = arith.constant 0 : i32
    return %c0_i32, %c0_i32_0 : i32, i32
  }
  func.func @transform_5(%arg0: i32) -> (i32, i32) {
    %c0_i32 = arith.constant 0 : i32
    %c0_i32_0 = arith.constant 0 : i32
    return %arg0, %c0_i32 : i32, i32
  }
}

</mosaic_0001>

<sc_bundles>
// kernel: kernel.11.cloned.1.call-start
scs
__scs_entry_jumppad:
0x0: {  	(pc) =	sbr.rel $0x88, $3  }
0x1: {  	(tag) =	ssettag $0x0;
	lr =	simm.s32 $0x1  }
0x2: {  	[smem:$0x3F93] =	sst lr;
	_ =	strace $0xD0000000  }
0x3: {  	_ = 	snop  }
0x4: {  	_ = 	snop  }
0x5: {  	_ = 	snop  }
0x6: {  	_ = 	snop  }
0x7: {  	_ = 	snop  }
__scs_overlays_trampoline_lowered:
0x8: {  	[smem:$0x3FA2] =	sst s0  }
0x9: {  	[smem:$0x3FA3] =	sst s1  }
0xa: {  	[smem:$0x3FA4] =	sst s2  }
0xb: {  	[smem:$0x3FA5] =	sst s3  }
0xc: {  	[smem:$0x3FA6] =	sst s4  }
0xd: {  	[smem:$0x3FA7] =	sst s5  }
0xe: {  	[smem:$0x3FA8] =	sst s6  }
0xf: {  	[smem:$0x3FA9] =	sst s7  }
0x10: {  	[smem:$0x3FAA] =	sst s8  }
0x11: {  	[smem:$0x3FAB] =	sst s9;
	s0 =	simm.s32 @!p0 $0x0  }
0x12: {  	s1 =	sld [smem:$0x3F91];
	s0 =	simm.s32 @p0 $0x1  }
0x13: {  	[smem:$0x3FAC] =	sst s0;
	s0 =	simm.s32 @!p1 $0x0  }
0x14: {  	s2 =	sld [smem:$0x3F90];
	s0 =	simm.s32 @p1 $0x1  }
0x15: {  	[smem:$0x3FAD] =	sst s0;
	s0 =	simm.s32 @!p2 $0x0  }
0x16: {  	s3 =	sld [smem:$0x3FDB];
	s0 =	simm.s32 @p2 $0x1  }
0x17: {  	s4 =	simm.s32 $0x1BF5;
	[smem:$0x3FAF] =	sst s0  }
0x18: {  	s0 =	sld [smem:$0x3F92];
	_ =	swait.ge [sflag:s4], $0x0  }
0x19: {  	s7 =	sld [smem:$0x3F93]  }
0x1a: {  	s8 =	sadd.s32 $0xFFFFE003, lr  }
0x1b: {  	s9 =	sadd.s32 $0xFFFFFEF7, lr;
	s5 =	simm.s32 $0xFFFFFFFF;
	p2 =	slt.u32 s8, $0xFFFFF086  }
0x1c: {  	p1 =	slt.u32 s9, $0xF7A;
	s5 =	simm.s32 @!p2 $0x0  }
0x1d: {  	s5 =	simm.s32 @p1 $0x1;
	p0 =	seq.s32 s7, s2  }
0x1e: {  	s7 =	smul.u32 @!p0 $0xF7A, s2;
	p2 =	seq.s32 @!p0 s5, $0x0  }
0x1f: {  	s9 =	smul.u32 $0xF7A, s1;
	s8 =	simm.s32 @!p0 $0x1BF5;
	p2 =	por !p2, p0  }
0x20: {  	[sflag:s8] =	ssyncset.s32 @!p0 $0xFFFFF086;
	s6 =	sadd.s32 @!p0 s3, s7;
	s7 =	simm.s32 @!p0 $0x108  }
0x21: {  	s3 =	sadd.s32 s3, s9;
	s6 =	sadd.s32 @!p0 $0x88, s6;
	s7 =	simm.s32 @p2 $0x1082  }
0x22: {  	[simem:s7], [sflag:s8] =	dma.local @!p0 [hbm:s6], $0xF7A  }
0x23: {  	s9 =	sor.u32 $0xD0000000, s2;
	s6 =	simm.s32 $0x108;
	_ =	swait.ge @!p0 [sflag:s8], $0x0  }
0x24: {  	s3 =	sadd.s32 $0x88, s3;
	s6 =	simm.s32 @!p1 $0x1082;
	[sflag:s4] =	ssyncset.s32 $0xFFFFF086  }
0x25: {  	[simem:s6], [sflag:s4] =	dma.local [hbm:s3], $0xF7A  }
0x26: {  	[smem:$0x3F93] =	sst s1;
	(tag) =	ssettag s2;
	_ =	strace s9  }
0x27: {  	s1 =	sld [smem:$0x3FA3]  }
0x28: {  	s2 =	sld [smem:$0x3FA4]  }
0x29: {  	s4 =	sld [smem:$0x3FA6]  }
0x2a: {  	p0 =	seq.s32 s5, $0x0;
	s5 =	sld [smem:$0x3FA7]  }
0x2b: {  	s6 =	sld [smem:$0x3FA8]  }
0x2c: {  	s7 =	sld [smem:$0x3FA9]  }
0x2d: {  	s3 =	simm.s32 $0x108;
	s8 =	sld [smem:$0x3FAA]  }
0x2e: {  	s3 =	simm.s32 @!p0 $0x1082;
	s9 =	sld [smem:$0x3FAB]  }
0x2f: {  	lr =	sadd.s32 s0, s3;
	s0 =	sld [smem:$0x3FA2]  }
0x30: {  	s3 =	sld [smem:$0x3FA5]  }
0x31: {  	[smem:$0x3FAE] =	sst s10  }
0x32: {  	s10 =	sld [smem:$0x3FAC];
	_ =	sdelay $0x3  }
0x33: {  	p0 =	seq.s32 s10, $0x1;
	s10 =	sld [smem:$0x3FAE];
	_ =	sdelay $0x3  }
0x34: {  	[smem:$0x3FAE] =	sst s10  }
0x35: {  	s10 =	sld [smem:$0x3FAD];
	_ =	sdelay $0x3  }
0x36: {  	p1 =	seq.s32 s10, $0x1;
	s10 =	sld [smem:$0x3FAE];
	_ =	sdelay $0x3  }
0x37: {  	[smem:$0x3FAE] =	sst s10  }
0x38: {  	s10 =	sld [smem:$0x3FAF]  }
0x39: {  	_ = 	snop;
	(pc) =	sbr.ind lr, $3  }
0x3a: {  	_ = 	snop  }
0x3b: {  	_ = 	snop  }
0x3c: {  	p2 =	seq.s32 s10, $0x1;
	s10 =	sld [smem:$0x3FAE]  }
0x3d: {  	_ =	shalt  }
0x3e: {  	_ =	shalt  }
0x3f: {  	_ =	shalt  }
0x40: {  	_ =	shalt  }
0x41: {  	_ =	shalt  }
0x42: {  	_ =	shalt  }
0x43: {  	_ =	shalt  }
0x44: {  	_ =	shalt  }
0x45: {  	_ =	shalt  }
0x46: {  	_ =	shalt  }
0x47: {  	_ =	shalt  }
0x48: {  	_ =	shalt  }
0x49: {  	_ =	shalt  }
0x4a: {  	_ =	shalt  }
0x4b: {  	_ =	shalt  }
0x4c: {  	_ =	shalt  }
0x4d: {  	_ =	shalt  }
0x4e: {  	_ =	shalt  }
0x4f: {  	_ =	shalt  }
0x50: {  	_ =	shalt  }
0x51: {  	_ =	shalt  }
0x52: {  	_ =	shalt  }
0x53: {  	_ =	shalt  }
0x54: {  	_ =	shalt  }
0x55: {  	_ =	shalt  }
0x56: {  	_ =	shalt  }
0x57: {  	_ =	shalt  }
0x58: {  	_ =	shalt  }
0x59: {  	_ =	shalt  }
0x5a: {  	_ =	shalt  }
0x5b: {  	_ =	shalt  }
0x5c: {  	_ =	shalt  }
0x5d: {  	_ =	shalt  }
0x5e: {  	_ =	shalt  }
0x5f: {  	_ =	shalt  }
0x60: {  	_ =	shalt  }
0x61: {  	_ =	shalt  }
0x62: {  	_ =	shalt  }
0x63: {  	_ =	shalt  }
0x64: {  	_ =	shalt  }
0x65: {  	_ =	shalt  }
0x66: {  	_ =	shalt  }
0x67: {  	_ =	shalt  }
0x68: {  	_ =	shalt  }
0x69: {  	_ =	shalt  }
0x6a: {  	_ =	shalt  }
0x6b: {  	_ =	shalt  }
0x6c: {  	_ =	shalt  }
0x6d: {  	_ =	shalt  }
0x6e: {  	_ =	shalt  }
0x6f: {  	_ =	shalt  }
0x70: {  	_ =	shalt  }
0x71: {  	_ =	shalt  }
0x72: {  	_ =	shalt  }
0x73: {  	_ =	shalt  }
0x74: {  	_ =	shalt  }
0x75: {  	_ =	shalt  }
0x76: {  	_ =	shalt  }
0x77: {  	_ =	shalt  }
0x78: {  	_ =	shalt  }
0x79: {  	_ =	shalt  }
0x7a: {  	_ =	shalt  }
0x7b: {  	_ =	shalt  }
0x7c: {  	_ =	shalt  }
0x7d: {  	_ =	shalt  }
0x7e: {  	_ =	shalt  }
0x7f: {  	_ =	shalt  }
0x80: {  	_ =	shalt  }
0x81: {  	_ =	shalt  }
0x82: {  	_ =	shalt  }
0x83: {  	_ =	shalt  }
0x84: {  	_ =	shalt  }
0x85: {  	_ =	shalt  }
0x86: {  	_ =	shalt  }
0x87: {  	_ =	shalt  }
.Lfunc_end0:
.L_simem_size_0:
called_computation.1_lowered:
.L_overlay_start_0:
0x88: {  	s2 =	sld [smem:$0x3FD9]  }
0x89: {  	s3 =	sld [smem:$0x3FFE];
	_ =	sdelay $0x1  }
0x8a: {  	s1 =	srdreg.scid  }
0x8b: {  	s0 =	sand.u32 $0x1, s1  }
0x8c: {  	s17 =	sshll.u32 s0, $0xA;
	s2 =	sadd.s32 s3, s2  }
0x8d: {  	s2 =	sadd.s32 s2, s17  }
0x8e: {  	[smem:$0x3FBA] =	sst s2  }
0x8f: {  	_ = 	snop  }
0x90: {  	s18 =	sld [smem:$0x3FD0];
	(tm) =	ssettm $0x1  }
0x91: {  	s19 =	sld [smem:$0x3FFB];
	_ =	sdelay $0x3  }
0x92: {  	_ =	strace s19  }
0x93: {  	s2 =	sld [smem:$0x3FFC];
	_ =	sdelay $0x3  }
0x94: {  	_ =	strace s2  }
0x95: {  	s2 =	sld [smem:$0x3FFD];
	_ =	sdelay $0x3  }
0x96: {  	_ =	strace s2  }
0x97: {  	_ =	strace $0x8FFFFFFF  }
0x98: {  	s20 =	sld [smem:$0x3FDB];
	_ =	sdelay $0x1  }
0x99: {  	s4 =	simm.s32 $_scs_section_size  }
0x9a: {  	s5 =	simm.s32 $_size__tile_overlayer_lowered;
	s6 =	simm.s32 $_tile_overlayer_lowered  }
0x9b: {  	s7 =	simm.s32 $0x1BFF;
	s21 =	sshll.u32 s6, $0x1;
	s4 =	sadd.s32 s4, s20  }
0x9c: {  	s22 =	simm.s32 $0x0;
	s5 =	sshll.u32 s5, $0x1;
	s6 =	sadd.s32 s21, s4  }
0x9d: {  	[timem:s22], [sflag:s7] =	dma.local [hbm:s6], s5  }
0x9e: {  	_ =	swait.ge [sflag:s7], s5  }
0x9f: {  	s5 =	ssub.s32 $0x0, s5;
	[sflag:s7] =	ssyncset.done $0x0  }
0xa0: {  	[sflag:s7] =	ssyncadd.s32 s5;
	_ =	sdelay $0x1  }
0xa1: {  	s23 =	simm.s32 $0x1B8B  }
0xa2: {  	_ =	swait.ge [sflag:s23], $0x1  }
0xa3: {  	[sflag:s23] =	ssyncset.done $0x0  }
0xa4: {  	[sflag:s23] =	ssyncadd.s32 $0xFFFFFFFF  }
0xa5: {  	s5 =	sld [smem:$0x0]  }
0xa6: {  	s6 =	sand.u32 $0xFFFFFFFE, s1  }
0xa7: {  	p0 =	sne.s32 s1, s6  }
0xa8: {  	s6 =	sshll.u32 @p0 s6, $0xE  }
0xa9: {  	s6 =	sadd.s32 @p0 $0x11B8D, s6;
	s7 =	sshll.u32 @p0 s5, $0x11  }
0xaa: {  	s6 =	sor.u32 @p0 s7, s6  }
0xab: {  	[sflag:s6] =	ssyncadd.remote.s32 @p0 $0x1;
	_ =	sdelay $0x1  }
0xac: {  	s6 =	simm.s32 @p0 $0x1B8D  }
0xad: {  	_ =	swait.eq @p0 [sflag:s6], $0x1  }
0xae: {  	[sflag:s6] =	ssyncadd.s32 @p0 $0xFFFFFFFF  }
0xaf: {  	s7 =	sshll.u32 @!p0 s1, $0xE  }
0xb0: {  	s7 =	sor.u32 @!p0 $0x4000, s7;
	s6 =	simm.s32 @!p0 $0x1B8D  }
0xb1: {  	s5 =	sshll.u32 @!p0 s5, $0x11;
	s7 =	sadd.s32 @!p0 $0x11B8D, s7;
	_ =	swait.eq @!p0 [sflag:s6], $0x1  }
0xb2: {  	s5 =	sor.u32 @!p0 s5, s7;
	[sflag:s6] =	ssyncadd.s32 @!p0 $0xFFFFFFFF  }
0xb3: {  	s25 =	simm.s32 $0x1B8E;
	s24 =	sld [smem:$0x3FFE];
	[sflag:s5] =	ssyncadd.remote.s32 @!p0 $0x1  }
0xb4: {  	s26 =	simm.s32 $execute0_lowered;
	[smem:$0x3FD2] =	sst s25  }
0xb5: {  	s6 =	sshll.u32 s26, $0x1;
	_ =	strace $0x8000004C;
	[dreg:$0x1] =	wrdreg $0xFFFFFFFF  }
0xb6: {  	s28 =	simm.s32 $_size_execute0_lowered;
	s4 =	sadd.s32 s4, s6;
	[dreg:$0x0] =	wrdreg $0x0  }
0xb7: {  	s6 =	sshll.u32 s28, $0x1;
	[dreg:$0x2] =	wrdreg s4  }
0xb8: {  	[dreg:$0x3] =	wrdreg s6  }
0xb9: {  	[dreg:$0x4] =	wrdreg $0xC0  }
0xba: {  	_ =	task [dreg:s22], $0x5FFFF  }
0xbb: {  	[dreg:$0x1] =	wrdreg $0xFFFFFFFF  }
0xbc: {  	[dreg:$0x0] =	wrdreg $0x60  }
0xbd: {  	[dreg:$0x2] =	wrdreg s24  }
0xbe: {  	[dreg:$0x3] =	wrdreg s18  }
0xbf: {  	[dreg:$0x4] =	wrdreg $0x0  }
0xc0: {  	[dreg:$0x5] =	wrdreg $0x9  }
0xc1: {  	_ =	task.clear_ibuf [dreg:s22], $0x6FFFF;
	_ =	strace $0x9000004C  }
0xc2: {  	s29 =	simm.s32 $0x9;
	_ =	strace $0x8000004E  }
0xc3: {  	_ =	swait.ge [sflag:s29], $0x1  }
0xc4: {  	[sflag:s29] =	ssyncadd.s32 $0xFFFFFFFF  }
0xc5: {  	_ =	strace $0x9000004E  }
0xc6: {  	_ =	sfence  }
0xc7: {  	s30 =	sld [smem:$0x0];
	_ =	sdelay $0x2  }
0xc8: {  	s31 =	sshll.u32 s1, $0xD;
	s1 =	sshrl.u32 s1, $0x2  }
0xc9: {  	s4 =	sand.u32 $0x4000, s31;
	s1 =	sadd.s32 s1, s30  }
0xca: {  	s0 =	sor.u32 s4, s0;
	s1 =	sshll.u32 s1, $0x11  }
0xcb: {  	s0 =	sor.u32 s1, s0  }
0xcc: {  	s0 =	sadd.s32 $0x8F2B, s0  }
0xcd: {  	[sflag:s0] =	ssyncadd.remote.s32 $0x1  }
0xce: {  	_ =	sfence.sel $0xFFFF  }
0xcf: {  	[dreg:$0x0] =	wrdreg $0xFFFFFFFF;
	(pc) =	sbr.abs _section_cstart, $3  }
0xd0: {  	[dreg:$0x1] =	wrdreg $0xFFFFFFFF  }
0xd1: {  	_ =	task.clear_ibuf [dreg:s22], $0x2FFFF;
	_ =	strace $0x9FFFFFFF  }
0xd2: {  	(tm) =	ssettm $0x7FFFFFFF  }
0xd3: {  	_ =	shalt  }
tec
execute0_lowered:
.L_overlay_start_1:
0x0: {  	(tag) =	ssettag $0x1  }
0x1: {  	s0 =	rddreg [dreg:$0x0]  }
0x2: {  	s2 =	rddreg [dreg:$0x2]  }
0x3: {  	s3 =	stileid.u32;
	s4 =	simm.s32 $0x0;
	s5 =	srdreg.scid  }
0x4: {  	s14 =	simm.s32 $0x3;
	s15 =	simm.s32 $0x400;
	s16 =	simm.s32 $0xC00  }
0x5: {  	s17 =	simm.s32 $0x16780;
	s18 =	simm.s32 $0x18F80;
	s19 =	simm.s32 $0x1  }
0x6: {  	s20 =	simm.s32 $0x50;
	s21 =	simm.s32 $0x1B780;
	s22 =	simm.s32 $0x2  }
0x7: {  	s23 =	simm.s32 $0x1B800;
	s28 =	simm.s32 $0x80;
	s1 =	smul.u32 $0x2710, s3  }
0x8: {  	s29 =	simm.s32 $0x0;
	[smem:$0x7FF] =	sst s4;
	s7 =	smul.u32 $0x28000, s3  }
0x9: {  	s6 =	sand.u32 $0x1, s5;
	s5 =	sadd.s32 $0x7AF400, s0;
	s10 =	smul.u32 $0x3A9800, s3  }
0xa: {  	s12 =	smul.u32 $0x50000, s3;
	p0 =	sne.s32 s3, $0x0;
	_ =	strace $0x8000004D  }
0xb: {  	s8 =	sshll.u32 s6, $0xA;
	s6 =	ssub.s32 $0x2, s6;
	s1 =	sshrl.u32 s1, $0x3  }
0xc: {  	s7 =	sor.u32 s8, s7;
	s25 =	sshrl.u32 s6, $0x1;
	s10 =	sor.u32 s8, s10  }
0xd: {  	s26 =	sshrl.u32 s12, $0x2;
	s12 =	sshrl.u32 @!p0 s2, $0x3;
	s9 =	sadd.s32 s1, s0  }
0xe: {  	s7 =	sshrl.u32 s7, $0x3;
	s1 =	smul.u32 $0xC00, s1;
	s11 =	ssub.s32 s6, s25  }
0xf: {  	s30 =	sadd.s32 $0x7800, s10;
	s24 =	sadd.s32 s26, s2;
	s25 =	simm.s32 $0x8  }
0x10: {  	s26 =	simm.s32 $0x100;
	s0 =	sadd.s32 s7, s0;
	s6 =	sadd.s32 $0x2A400, s9  }
0x11: {  	s31 =	sshrl.u32 s30, $0x3;
	s9 =	smax.u32 s11, $0x1;
	s1 =	sor.u32 s8, s1  }
0x12: {  	s24 =	sshrl.u32 s24, $0x3;
	s8 =	sadd.s32 $0x7F400, s0;
	s1 =	sshrl.u32 s1, $0x3  }
0x13: {  	s0 =	sadd.s32 s31, s5;
	s7 =	sadd.s32 s5, s1;
	s1 =	sadd.s32 $0xF000, s10  }
.LBB2_1:
0x14: {  	s10 =	simm.s32 @!p0 $0x1C03;
	s11 =	rddreg [dreg:$0x1]  }
0x15: {  	[spmem:s12], [sflag:s10] =	dma.local @!p0 [hbm:s11], $0x28000  }
0x16: {  	s10 =	simm.s32 @!p0 $0x3  }
0x17: {  	_ =	swait.ge @!p0 [sflag:s10], $0x28000  }
0x18: {  	[sflag:s10] =	ssyncset.done @!p0 $0x0  }
0x19: {  	s11 =	simm.s32 $0x14000;
	[sflag:s10] =	ssyncadd.s32 @!p0 $0xFFFD8000  }
0x1a: {  	[tilespmem:s11], [sflag:$0x3] =	stream.linear.gather [hbm4b:s6+s4], $0x2710, $0x38;
	[tilespmem:$0x1B880] =	vst v63  }
0x1b: {  	_ =	swait.ge [sflag:s14], $0x2710  }
0x1c: {  	[sflag:s14] =	ssyncset.done $0x0  }
0x1d: {  	[sflag:s14] =	ssyncadd.s32 $0xFFFFD8F0  }
0x1e: {  	[bflag:$0x0] =	sbarrier.arrive $0xFFFF  }
0x1f: {  	[tilespmem:s17], [sflag:$0x1] =	stream.strided.gather [hbm4b:s7+s15], $0x2800, s16, s15, $0x38;
	[tilespmem:$0x1B880] =	vst v63  }
0x20: {  	v0 =	vld [tilespmem:$0x14000]  }
0x21: {  	v1 =	vld [tilespmem:$0x14010]  }
0x22: {  	v2 =	vld [tilespmem:$0x14020]  }
0x23: {  	v3 =	vld [tilespmem:$0x14030]  }
0x24: {  	v4 =	vld [tilespmem:$0x14040]  }
0x25: {  	[tilespmem:$0x1B780] =	vst v0  }
0x26: {  	[tilespmem:$0x1B790] =	vst v1  }
0x27: {  	[tilespmem:$0x1B7A0] =	vst v2  }
0x28: {  	[tilespmem:$0x1B7B0] =	vst v3  }
0x29: {  	s10 =	simm.s32 $0x14070;
	[tilespmem:$0x1B7C0] =	vst v4  }
0x2a: {  	[tilespmem:s18], [sflag:$0x2] =	stream.strided.gather [hbm4b:s0+s15], $0x2800, s16, s15, $0x38;
	[tilespmem:$0x1B880] =	vst v63  }
0x2b: {  	v0 =	vld [tilespmem:s10+$0xFFFFFFE0];
	_ =	sdelay $0x4  }
0x2c: {  	[tilespmem:$0x1B800] =	vst v0  }
0x2d: {  	v0 =	vld [tilespmem:s10+$0xFFFFFFF0];
	_ =	sdelay $0x4  }
0x2e: {  	[tilespmem:$0x1B810] =	vst v0  }
0x2f: {  	v0 =	vld [tilespmem:s10+$0x0];
	_ =	sdelay $0x4  }
0x30: {  	s13 =	sand.u32 $0x3FE0, s4;
	[tilespmem:$0x1B820] =	vst v0  }
0x31: {  	v0 =	vld [tilespmem:s13+$0x14080];
	_ =	sdelay $0x4  }
0x32: {  	[tilespmem:$0x1B830] =	vst v0  }
0x33: {  	v0 =	vld [tilespmem:s10+$0x20];
	_ =	sdelay $0x4  }
0x34: {  	[tilespmem:$0x1B840] =	vst v0  }
0x35: {  	_ =	swait.ge [sflag:s19], $0x2800  }
0x36: {  	[sflag:s19] =	ssyncset.done $0x0  }
0x37: {  	[sflag:s19] =	ssyncadd.s32 $0xFFFFD800  }
0x38: {  	[spmem:s2] =	stream.indirect.scatter.add.f32 [tilespmem:s17], [sflag:$0x3], $0x80, s21, s20, $0xb8;
	[tilespmem:$0x1B880] =	vst v63  }
0x39: {  	_ =	swait.ge [sflag:s14], $0x2800  }
0x3a: {  	s13 =	sshrl.u32 s1, $0x3;
	[sflag:s14] =	ssyncset.done $0x0  }
0x3b: {  	s11 =	sadd.s32 s5, s13;
	[sflag:s14] =	ssyncadd.s32 $0xFFFFD800  }
0x3c: {  	[tilespmem:s17], [sflag:$0x1] =	stream.strided.gather [hbm4b:s11+s15], $0x2800, s16, s15, $0x38;
	[tilespmem:$0x1B880] =	vst v63  }
0x3d: {  	v63 =	vld [tilespmem:s10+$0x30];
	_ =	sdelay $0x4  }
0x3e: {  	[tilespmem:$0x1B780] =	vst v63  }
0x3f: {  	v0 =	vld [tilespmem:s10+$0x40];
	_ =	sdelay $0x4  }
0x40: {  	[tilespmem:$0x1B790] =	vst v0  }
0x41: {  	v0 =	vld [tilespmem:s10+$0x50];
	_ =	sdelay $0x4  }
0x42: {  	[tilespmem:$0x1B7A0] =	vst v0  }
0x43: {  	v0 =	vld [tilespmem:s10+$0x60];
	_ =	sdelay $0x4  }
0x44: {  	[tilespmem:$0x1B7B0] =	vst v0  }
0x45: {  	v0 =	vld [tilespmem:s10+$0x70];
	_ =	sdelay $0x4  }
0x46: {  	[tilespmem:$0x1B7C0] =	vst v0  }
0x47: {  	_ =	swait.ge [sflag:s22], $0x2800  }
0x48: {  	[sflag:s22] =	ssyncset.done $0x0  }
0x49: {  	[sflag:s22] =	ssyncadd.s32 $0xFFFFD800  }
0x4a: {  	[spmem:s2] =	stream.indirect.scatter.add.f32 [tilespmem:s18], [sflag:$0x3], $0x80, s23, s20, $0xb8;
	[tilespmem:$0x1B880] =	vst v63  }
0x4b: {  	s30 =	simm.s32 $0xA0;
	s31 =	simm.s32 $0x14110;
	_ =	swait.ge [sflag:s14], $0x2800  }
0x4c: {  	s11 =	smov.u32 s1;
	s10 =	smov.u32 s0;
	[sflag:s14] =	ssyncset.done $0x0  }
.LBB2_2:
0x4d: {  	[sflag:s14] =	ssyncadd.s32 $0xFFFFD800;
	s10 =	sadd.s32 $0x1E00, s10;
	s11 =	sadd.s32 $0xF000, s11  }
0x4e: {  	[tilespmem:s18], [sflag:$0x2] =	stream.strided.gather [hbm4b:s10+s15], $0x2800, s16, s15, $0x38;
	[tilespmem:$0x1B880] =	vst v63  }
0x4f: {  	p1 =	sne.s32 s30, $0x2620;
	s13 =	smov.u32 s30;
	s30 =	sadd.s32 $0xA0, s30;
	v0 =	vld [tilespmem:s31+$0xFFFFFFE0]  }
0x50: {  	_ =	sdelay $0x3  }
0x51: {  	[tilespmem:$0x1B800] =	vst v0  }
0x52: {  	v0 =	vld [tilespmem:s31+$0xFFFFFFF0];
	_ =	sdelay $0x4  }
0x53: {  	[tilespmem:$0x1B810] =	vst v0  }
0x54: {  	v0 =	vld [tilespmem:s31+$0x0];
	_ =	sdelay $0x4  }
0x55: {  	s13 =	sand.u32 $0x3FE0, s13;
	[tilespmem:$0x1B820] =	vst v0  }
0x56: {  	v0 =	vld [tilespmem:s13+$0x14080];
	_ =	sdelay $0x4  }
0x57: {  	[tilespmem:$0x1B830] =	vst v0  }
0x58: {  	v0 =	vld [tilespmem:s31+$0x20];
	_ =	sdelay $0x4  }
0x59: {  	[tilespmem:$0x1B840] =	vst v0  }
0x5a: {  	_ =	swait.ge [sflag:s19], $0x2800  }
0x5b: {  	[sflag:s19] =	ssyncset.done $0x0  }
0x5c: {  	[sflag:s19] =	ssyncadd.s32 $0xFFFFD800  }
0x5d: {  	[spmem:s2] =	stream.indirect.scatter.add.f32 [tilespmem:s17], [sflag:$0x3], $0x80, s21, s20, $0xb8;
	[tilespmem:$0x1B880] =	vst v63  }
0x5e: {  	_ =	swait.ge [sflag:s14], $0x2800  }
0x5f: {  	s13 =	sshrl.u32 s11, $0x3;
	[sflag:s14] =	ssyncset.done $0x0  }
0x60: {  	s13 =	sadd.s32 s5, s13;
	[sflag:s14] =	ssyncadd.s32 $0xFFFFD800  }
0x61: {  	[tilespmem:s17], [sflag:$0x1] =	stream.strided.gather [hbm4b:s13+s15], $0x2800, s16, s15, $0x38;
	[tilespmem:$0x1B880] =	vst v63  }
0x62: {  	v0 =	vld [tilespmem:s31+$0x30];
	_ =	sdelay $0x4  }
0x63: {  	[tilespmem:$0x1B780] =	vst v0  }
0x64: {  	v0 =	vld [tilespmem:s31+$0x40];
	_ =	sdelay $0x4  }
0x65: {  	[tilespmem:$0x1B790] =	vst v0  }
0x66: {  	v0 =	vld [tilespmem:s31+$0x50];
	_ =	sdelay $0x4  }
0x67: {  	[tilespmem:$0x1B7A0] =	vst v0  }
0x68: {  	v0 =	vld [tilespmem:s31+$0x60];
	_ =	sdelay $0x4  }
0x69: {  	[tilespmem:$0x1B7B0] =	vst v0  }
0x6a: {  	v0 =	vld [tilespmem:s31+$0x70];
	_ =	sdelay $0x4  }
0x6b: {  	[tilespmem:$0x1B7C0] =	vst v0  }
0x6c: {  	_ =	swait.ge [sflag:s22], $0x2800  }
.Ltmp0:
0x6d: {  	[sflag:s22] =	ssyncset.done $0x0;
	(pc) =	sbr.rel @p1 .LBB2_2-.Ltmp0, $4  }
0x6e: {  	[sflag:s22] =	ssyncadd.s32 $0xFFFFD800  }
0x6f: {  	[spmem:s2] =	stream.indirect.scatter.add.f32 [tilespmem:s18], [sflag:$0x3], $0x80, s23, s20, $0xb8;
	[tilespmem:$0x1B880] =	vst v63  }
0x70: {  	_ =	swait.ge [sflag:s14], $0x2800  }
0x71: {  	s31 =	sadd.s32 $0xA0, s31;
	[sflag:s14] =	ssyncset.done $0x0  }
0x72: {  	[sflag:s14] =	ssyncadd.s32 $0xFFFFD800  }
0x73: {  	_ =	swait.ge [sflag:s19], $0x2800  }
0x74: {  	[sflag:s19] =	ssyncset.done $0x0  }
0x75: {  	[sflag:s19] =	ssyncadd.s32 $0xFFFFD800  }
0x76: {  	[spmem:s2] =	stream.indirect.scatter.add.f32 [tilespmem:s17], [sflag:$0x3], $0x80, s21, s20, $0xb8;
	[tilespmem:$0x1B880] =	vst v63  }
0x77: {  	_ =	swait.ge [sflag:s14], $0x2800  }
0x78: {  	s29 =	sadd.s32 $0x1, s29;
	[sflag:s14] =	ssyncset.done $0x0  }
0x79: {  	s10 =	sshll.u32 s3, $0x6;
	p1 =	sne.s32 s29, s9;
	[sflag:s14] =	ssyncadd.s32 $0xFFFFD800  }
.Ltmp1:
0x7a: {  	s10 =	sor.u32 $0x1C03, s10;
	[bflag:$0x0] =	sbarrier.arrive $0xFFFF;
	(pc) =	sbr.rel @p1 .LBB2_1-.Ltmp1, $4  }
0x7b: {  	[hbm:s8@s26], [sflag:s10] =	dma.strided [spmem:s24@s28], $0x2800, s25, $0x10   }
0x7c: {  	_ =	swait.ge [sflag:s14], $0x2800  }
0x7d: {  	[sflag:s14] =	ssyncset.done $0x0  }
0x7e: {  	[sflag:s14] =	ssyncadd.s32 $0xFFFFD800  }
0x7f: {  	_ =	sfence.sel $0x180000  }
0x80: {  	[bflag:$0x0] =	sbarrier.arrive $0xFFFF  }
0x81: {  	_ =	strace $0x9000004D  }
0x82: {  	[bflag:$0x2] =	sbarrier.arrive $0xFFFF  }
0x83: {  	s0 =	rddreg [dreg:$0x3]  }
0x84: {  	s0 =	sadd.s32 @!p0 $0x100000, s0  }
0x85: {  	[sflag:s0] =	ssyncadd.tile.s32 @!p0 $0x1;
	_ =	shalt  }
.Lfunc_end2:
_tile_overlayer_lowered:
.L_overlay_start_2:
0x86: {  	(tag) =	ssettag $0x2  }
0x87: {  	s0 =	rddreg [dreg:$0x0];
	s2 =	stileid.u32  }
0x88: {  	s1 =	rddreg [dreg:$0x1];
	p0 =	sne.s32 s2, $0x0  }
0x89: {  	s3 =	rddreg [dreg:$0x2];
	[bflag:$0x3] =	sbarrier.arrive $0xFFFF;
	s2 =	simm.s32 @!p0 $0x1C03  }
0x8a: {  	[timem:s3], [sflag:s2] =	dma.local @!p0 [hbm:s0], s1  }
0x8b: {  	s0 =	simm.s32 @!p0 $0x3  }
0x8c: {  	_ =	swait.ge @!p0 [sflag:s0], s1  }
0x8d: {  	s1 =	ssub.s32 @!p0 $0x0, s1;
	[sflag:s0] =	ssyncset.done @!p0 $0x0  }
0x8e: {  	[sflag:s0] =	ssyncadd.s32 @!p0 s1  }
0x8f: {  	[bflag:$0x3] =	sbarrier.arrive $0xFFFF  }
0x90: {  	_ =	shalt  }

// kernel: kernel.14.cloned.1.call-start
scs
__scs_entry_jumppad:
0x0: {  	(pc) =	sbr.rel $0x88, $3  }
0x1: {  	(tag) =	ssettag $0x0;
	lr =	simm.s32 $0x1  }
0x2: {  	[smem:$0x3F93] =	sst lr;
	_ =	strace $0xD0000000  }
0x3: {  	_ = 	snop  }
0x4: {  	_ = 	snop  }
0x5: {  	_ = 	snop  }
0x6: {  	_ = 	snop  }
0x7: {  	_ = 	snop  }
__scs_overlays_trampoline_lowered:
0x8: {  	[smem:$0x3FA2] =	sst s0  }
0x9: {  	[smem:$0x3FA3] =	sst s1  }
0xa: {  	[smem:$0x3FA4] =	sst s2  }
0xb: {  	[smem:$0x3FA5] =	sst s3  }
0xc: {  	[smem:$0x3FA6] =	sst s4  }
0xd: {  	[smem:$0x3FA7] =	sst s5  }
0xe: {  	[smem:$0x3FA8] =	sst s6  }
0xf: {  	[smem:$0x3FA9] =	sst s7  }
0x10: {  	[smem:$0x3FAA] =	sst s8  }
0x11: {  	[smem:$0x3FAB] =	sst s9;
	s0 =	simm.s32 @!p0 $0x0  }
0x12: {  	s1 =	sld [smem:$0x3F91];
	s0 =	simm.s32 @p0 $0x1  }
0x13: {  	[smem:$0x3FAC] =	sst s0;
	s0 =	simm.s32 @!p1 $0x0  }
0x14: {  	s2 =	sld [smem:$0x3F90];
	s0 =	simm.s32 @p1 $0x1  }
0x15: {  	[smem:$0x3FAD] =	sst s0;
	s0 =	simm.s32 @!p2 $0x0  }
0x16: {  	s3 =	sld [smem:$0x3FDB];
	s0 =	simm.s32 @p2 $0x1  }
0x17: {  	s4 =	simm.s32 $0x1BF5;
	[smem:$0x3FAF] =	sst s0  }
0x18: {  	s0 =	sld [smem:$0x3F92];
	_ =	swait.ge [sflag:s4], $0x0  }
0x19: {  	s7 =	sld [smem:$0x3F93]  }
0x1a: {  	s8 =	sadd.s32 $0xFFFFE003, lr  }
0x1b: {  	s9 =	sadd.s32 $0xFFFFFEF7, lr;
	s5 =	simm.s32 $0xFFFFFFFF;
	p2 =	slt.u32 s8, $0xFFFFF086  }
0x1c: {  	p1 =	slt.u32 s9, $0xF7A;
	s5 =	simm.s32 @!p2 $0x0  }
0x1d: {  	s5 =	simm.s32 @p1 $0x1;
	p0 =	seq.s32 s7, s2  }
0x1e: {  	s7 =	smul.u32 @!p0 $0xF7A, s2;
	p2 =	seq.s32 @!p0 s5, $0x0  }
0x1f: {  	s9 =	smul.u32 $0xF7A, s1;
	s8 =	simm.s32 @!p0 $0x1BF5;
	p2 =	por !p2, p0  }
0x20: {  	[sflag:s8] =	ssyncset.s32 @!p0 $0xFFFFF086;
	s6 =	sadd.s32 @!p0 s3, s7;
	s7 =	simm.s32 @!p0 $0x108  }
0x21: {  	s3 =	sadd.s32 s3, s9;
	s6 =	sadd.s32 @!p0 $0x88, s6;
	s7 =	simm.s32 @p2 $0x1082  }
0x22: {  	[simem:s7], [sflag:s8] =	dma.local @!p0 [hbm:s6], $0xF7A  }
0x23: {  	s9 =	sor.u32 $0xD0000000, s2;
	s6 =	simm.s32 $0x108;
	_ =	swait.ge @!p0 [sflag:s8], $0x0  }
0x24: {  	s3 =	sadd.s32 $0x88, s3;
	s6 =	simm.s32 @!p1 $0x1082;
	[sflag:s4] =	ssyncset.s32 $0xFFFFF086  }
0x25: {  	[simem:s6], [sflag:s4] =	dma.local [hbm:s3], $0xF7A  }
0x26: {  	[smem:$0x3F93] =	sst s1;
	(tag) =	ssettag s2;
	_ =	strace s9  }
0x27: {  	s1 =	sld [smem:$0x3FA3]  }
0x28: {  	s2 =	sld [smem:$0x3FA4]  }
0x29: {  	s4 =	sld [smem:$0x3FA6]  }
0x2a: {  	p0 =	seq.s32 s5, $0x0;
	s5 =	sld [smem:$0x3FA7]  }
0x2b: {  	s6 =	sld [smem:$0x3FA8]  }
0x2c: {  	s7 =	sld [smem:$0x3FA9]  }
0x2d: {  	s3 =	simm.s32 $0x108;
	s8 =	sld [smem:$0x3FAA]  }
0x2e: {  	s3 =	simm.s32 @!p0 $0x1082;
	s9 =	sld [smem:$0x3FAB]  }
0x2f: {  	lr =	sadd.s32 s0, s3;
	s0 =	sld [smem:$0x3FA2]  }
0x30: {  	s3 =	sld [smem:$0x3FA5]  }
0x31: {  	[smem:$0x3FAE] =	sst s10  }
0x32: {  	s10 =	sld [smem:$0x3FAC];
	_ =	sdelay $0x3  }
0x33: {  	p0 =	seq.s32 s10, $0x1;
	s10 =	sld [smem:$0x3FAE];
	_ =	sdelay $0x3  }
0x34: {  	[smem:$0x3FAE] =	sst s10  }
0x35: {  	s10 =	sld [smem:$0x3FAD];
	_ =	sdelay $0x3  }
0x36: {  	p1 =	seq.s32 s10, $0x1;
	s10 =	sld [smem:$0x3FAE];
	_ =	sdelay $0x3  }
0x37: {  	[smem:$0x3FAE] =	sst s10  }
0x38: {  	s10 =	sld [smem:$0x3FAF]  }
0x39: {  	_ = 	snop;
	(pc) =	sbr.ind lr, $3  }
0x3a: {  	_ = 	snop  }
0x3b: {  	_ = 	snop  }
0x3c: {  	p2 =	seq.s32 s10, $0x1;
	s10 =	sld [smem:$0x3FAE]  }
0x3d: {  	_ =	shalt  }
0x3e: {  	_ =	shalt  }
0x3f: {  	_ =	shalt  }
0x40: {  	_ =	shalt  }
0x41: {  	_ =	shalt  }
0x42: {  	_ =	shalt  }
0x43: {  	_ =	shalt  }
0x44: {  	_ =	shalt  }
0x45: {  	_ =	shalt  }
0x46: {  	_ =	shalt  }
0x47: {  	_ =	shalt  }
0x48: {  	_ =	shalt  }
0x49: {  	_ =	shalt  }
0x4a: {  	_ =	shalt  }
0x4b: {  	_ =	shalt  }
0x4c: {  	_ =	shalt  }
0x4d: {  	_ =	shalt  }
0x4e: {  	_ =	shalt  }
0x4f: {  	_ =	shalt  }
0x50: {  	_ =	shalt  }
0x51: {  	_ =	shalt  }
0x52: {  	_ =	shalt  }
0x53: {  	_ =	shalt  }
0x54: {  	_ =	shalt  }
0x55: {  	_ =	shalt  }
0x56: {  	_ =	shalt  }
0x57: {  	_ =	shalt  }
0x58: {  	_ =	shalt  }
0x59: {  	_ =	shalt  }
0x5a: {  	_ =	shalt  }
0x5b: {  	_ =	shalt  }
0x5c: {  	_ =	shalt  }
0x5d: {  	_ =	shalt  }
0x5e: {  	_ =	shalt  }
0x5f: {  	_ =	shalt  }
0x60: {  	_ =	shalt  }
0x61: {  	_ =	shalt  }
0x62: {  	_ =	shalt  }
0x63: {  	_ =	shalt  }
0x64: {  	_ =	shalt  }
0x65: {  	_ =	shalt  }
0x66: {  	_ =	shalt  }
0x67: {  	_ =	shalt  }
0x68: {  	_ =	shalt  }
0x69: {  	_ =	shalt  }
0x6a: {  	_ =	shalt  }
0x6b: {  	_ =	shalt  }
0x6c: {  	_ =	shalt  }
0x6d: {  	_ =	shalt  }
0x6e: {  	_ =	shalt  }
0x6f: {  	_ =	shalt  }
0x70: {  	_ =	shalt  }
0x71: {  	_ =	shalt  }
0x72: {  	_ =	shalt  }
0x73: {  	_ =	shalt  }
0x74: {  	_ =	shalt  }
0x75: {  	_ =	shalt  }
0x76: {  	_ =	shalt  }
0x77: {  	_ =	shalt  }
0x78: {  	_ =	shalt  }
0x79: {  	_ =	shalt  }
0x7a: {  	_ =	shalt  }
0x7b: {  	_ =	shalt  }
0x7c: {  	_ =	shalt  }
0x7d: {  	_ =	shalt  }
0x7e: {  	_ =	shalt  }
0x7f: {  	_ =	shalt  }
0x80: {  	_ =	shalt  }
0x81: {  	_ =	shalt  }
0x82: {  	_ =	shalt  }
0x83: {  	_ =	shalt  }
0x84: {  	_ =	shalt  }
0x85: {  	_ =	shalt  }
0x86: {  	_ =	shalt  }
0x87: {  	_ =	shalt  }
.Lfunc_end0:
.L_simem_size_0:
called_computation.2_lowered:
.L_overlay_start_0:
0x88: {  	s2 =	sld [smem:$0x3FD9]  }
0x89: {  	s3 =	sld [smem:$0x3FFE];
	_ =	sdelay $0x1  }
0x8a: {  	s1 =	srdreg.scid  }
0x8b: {  	s0 =	sand.u32 $0x1, s1  }
0x8c: {  	s17 =	sshll.u32 s0, $0xA;
	s2 =	sadd.s32 s3, s2  }
0x8d: {  	s2 =	sadd.s32 s2, s17  }
0x8e: {  	[smem:$0x3FBA] =	sst s2  }
0x8f: {  	_ = 	snop  }
0x90: {  	s2 =	sld [smem:$0x3FD0];
	(tm) =	ssettm $0x1  }
0x91: {  	s18 =	sld [smem:$0x3FFB];
	_ =	sdelay $0x3  }
0x92: {  	_ =	strace s18  }
0x93: {  	s3 =	sld [smem:$0x3FFC];
	_ =	sdelay $0x3  }
0x94: {  	_ =	strace s3  }
0x95: {  	s3 =	sld [smem:$0x3FFD];
	_ =	sdelay $0x3  }
0x96: {  	_ =	strace s3  }
0x97: {  	_ =	strace $0x8FFFFFFF  }
0x98: {  	s19 =	sld [smem:$0x3FDB];
	_ =	sdelay $0x1  }
0x99: {  	s4 =	simm.s32 $_scs_section_size  }
0x9a: {  	s5 =	simm.s32 $_size__tile_overlayer_lowered;
	s6 =	simm.s32 $_tile_overlayer_lowered  }
0x9b: {  	s22 =	simm.s32 $0x1BFF;
	s21 =	sshll.u32 s6, $0x1;
	s3 =	sadd.s32 s4, s19  }
0x9c: {  	s7 =	simm.s32 $0x0;
	s20 =	sshll.u32 s5, $0x1;
	s5 =	sadd.s32 s21, s3  }
0x9d: {  	[timem:s7], [sflag:s22] =	dma.local [hbm:s5], s20  }
0x9e: {  	_ =	swait.ge [sflag:s22], s20  }
0x9f: {  	s4 =	ssub.s32 $0x0, s20;
	[sflag:s22] =	ssyncset.done $0x0  }
0xa0: {  	[sflag:s22] =	ssyncadd.s32 s4;
	_ =	sdelay $0x1  }
0xa1: {  	s23 =	simm.s32 $0x1B8B  }
0xa2: {  	_ =	swait.ge [sflag:s23], $0x1  }
0xa3: {  	[sflag:s23] =	ssyncset.done $0x0  }
0xa4: {  	s25 =	simm.s32 $0x1B8E;
	s24 =	sld [smem:$0x3FFE];
	[sflag:s23] =	ssyncadd.s32 $0xFFFFFFFF  }
0xa5: {  	s26 =	simm.s32 $execute0_lowered;
	[smem:$0x3FD2] =	sst s25  }
0xa6: {  	s5 =	sshll.u32 s26, $0x1;
	_ =	strace $0x80000049;
	[dreg:$0x1] =	wrdreg $0xFFFFFFFF  }
0xa7: {  	s28 =	simm.s32 $_size_execute0_lowered;
	s3 =	sadd.s32 s3, s5;
	[dreg:$0x0] =	wrdreg $0x0  }
0xa8: {  	s5 =	sshll.u32 s28, $0x1;
	[dreg:$0x2] =	wrdreg s3  }
0xa9: {  	[dreg:$0x3] =	wrdreg s5  }
0xaa: {  	[dreg:$0x4] =	wrdreg $0xC0  }
0xab: {  	_ =	task [dreg:s7], $0x5FFFF  }
0xac: {  	[dreg:$0x1] =	wrdreg $0xFFFFFFFF  }
0xad: {  	[dreg:$0x0] =	wrdreg $0x60  }
0xae: {  	[dreg:$0x2] =	wrdreg s24  }
0xaf: {  	[dreg:$0x3] =	wrdreg s2  }
0xb0: {  	[dreg:$0x4] =	wrdreg $0x0  }
0xb1: {  	[dreg:$0x5] =	wrdreg $0xA  }
0xb2: {  	_ =	task.clear_ibuf [dreg:s7], $0x6FFFF;
	_ =	strace $0x90000049  }
0xb3: {  	s29 =	simm.s32 $0xA;
	_ =	strace $0x8000004B  }
0xb4: {  	_ =	swait.ge [sflag:s29], $0x1  }
0xb5: {  	[sflag:s29] =	ssyncadd.s32 $0xFFFFFFFF  }
0xb6: {  	_ =	strace $0x9000004B  }
0xb7: {  	_ =	sfence  }
0xb8: {  	s30 =	sld [smem:$0x0];
	_ =	sdelay $0x2  }
0xb9: {  	s31 =	sshll.u32 s1, $0xD;
	s1 =	sshrl.u32 s1, $0x2  }
0xba: {  	s3 =	sand.u32 $0x4000, s31;
	s1 =	sadd.s32 s1, s30  }
0xbb: {  	s0 =	sor.u32 s3, s0;
	s1 =	sshll.u32 s1, $0x11  }
0xbc: {  	s0 =	sor.u32 s1, s0  }
0xbd: {  	s0 =	sadd.s32 $0x8F2B, s0  }
0xbe: {  	[sflag:s0] =	ssyncadd.remote.s32 $0x1  }
0xbf: {  	_ =	sfence.sel $0xFFFF  }
0xc0: {  	[dreg:$0x0] =	wrdreg $0xFFFFFFFF;
	(pc) =	sbr.abs _section_cstart, $3  }
0xc1: {  	[dreg:$0x1] =	wrdreg $0xFFFFFFFF  }
0xc2: {  	_ =	task.clear_ibuf [dreg:s7], $0x2FFFF;
	_ =	strace $0x9FFFFFFF  }
0xc3: {  	(tm) =	ssettm $0x7FFFFFFF  }
tec
execute0_lowered:
.L_overlay_start_1:
0x0: {  	(tag) =	ssettag $0x1  }
0x1: {  	s0 =	srdreg.scid  }
0x2: {  	s2 =	rddreg [dreg:$0x0];
	s23 =	stileid.u32;
	s15 =	simm.s32 $0x400  }
0x3: {  	s16 =	simm.s32 $0xC00;
	s17 =	simm.s32 $0x14000;
	s18 =	simm.s32 $0x16800  }
0x4: {  	s19 =	simm.s32 $0x15400;
	s20 =	simm.s32 $0x16880;
	s21 =	simm.s32 $0x1  }
0x5: {  	s22 =	simm.s32 $0x28;
	s28 =	simm.s32 $0x100;
	s6 =	smul.u32 $0x28000, s23  }
0x6: {  	s29 =	simm.s32 $0x80;
	s30 =	simm.s32 $0x0;
	s11 =	smul.u32 $0x1388, s23  }
0x7: {  	s1 =	sand.u32 $0x1, s0;
	s26 =	smul.u32 $0x50000, s23;
	p0 =	sne.s32 s23, $0x0  }
0x8: {  	s3 =	sshll.u32 s1, $0x4;
	s24 =	sshll.u32 s1, $0xA;
	s9 =	smul.u32 $0x13880, s1  }
0x9: {  	s1 =	ssub.s32 $0x2, s1;
	s4 =	sor.u32 s23, s3;
	s3 =	rddreg [dreg:$0x2]  }
0xa: {  	s6 =	sor.u32 s24, s6;
	s25 =	sshrl.u32 s1, $0x1;
	s23 =	simm.s32 $0x3  }
0xb: {  	s24 =	simm.s32 $0x2;
	s5 =	smul.u32 $0x1388, s4;
	s4 =	simm.s32 $0x0  }
0xc: {  	s10 =	sshrl.u32 s6, $0x3;
	s6 =	sadd.s32 $0x2A400, s2;
	s11 =	sadd.s32 s11, s9  }
0xd: {  	s1 =	ssub.s32 s1, s25;
	s9 =	sshrl.u32 s26, $0x2;
	s14 =	sshrl.u32 @!p0 s3, $0x3  }
0xe: {  	[smem:$0x7FF] =	sst s4;
	s12 =	sadd.s32 $0x28, s11;
	s25 =	sadd.s32 s9, s3  }
0xf: {  	s8 =	sshrl.u32 s5, $0x3;
	_ =	strace $0x8000004A;
	s5 =	sadd.s32 $0x7AF400, s2  }
0x10: {  	s2 =	sadd.s32 s10, s2;
	s12 =	sshrl.u32 s12, $0x3;
	s7 =	smul.u32 $0xC00, s8  }
0x11: {  	s10 =	smax.u32 s1, $0x1;
	s1 =	sadd.s32 $0x50, s11;
	s13 =	smul.u32 $0x180, s12  }
0x12: {  	s25 =	sshrl.u32 s25, $0x3;
	s8 =	sadd.s32 s6, s8;
	s7 =	sshrl.u32 s7, $0x3  }
0x13: {  	s9 =	sadd.s32 $0x2F400, s2;
	s31 =	sadd.s32 s13, s5;
	s7 =	sadd.s32 s5, s7  }
0x14: {  	s12 =	sadd.s32 s12, s6;
	s2 =	sadd.s32 $0x100, s31;
	s7 =	sadd.s32 $0x100, s7  }
.LBB2_1:
0x15: {  	s11 =	simm.s32 @!p0 $0x1C03;
	s0 =	rddreg [dreg:$0x1]  }
0x16: {  	[spmem:s14], [sflag:s11] =	dma.local @!p0 [hbm:s0], $0x28000  }
0x17: {  	s11 =	simm.s32 @!p0 $0x3  }
0x18: {  	_ =	swait.ge @!p0 [sflag:s11], $0x28000  }
0x19: {  	[sflag:s11] =	ssyncset.done @!p0 $0x0  }
0x1a: {  	[sflag:s11] =	ssyncadd.s32 @!p0 $0xFFFD8000  }
0x1b: {  	[bflag:$0x0] =	sbarrier.arrive $0xFFFF  }
0x1c: {  	[tilespmem:s17], [sflag:$0x1] =	stream.strided.gather [hbm4b:s7+s15], $0x1400, s16, s15, $0x38;
	[tilespmem:$0x16900] =	vst v63  }
0x1d: {  	_ = 	snop  }
0x1e: {  	[tilespmem:s18], [sflag:$0x1] =	stream.linear.gather [hbm4b:s8+s4], $0x28, $0x38;
	[tilespmem:$0x16900] =	vst v63  }
0x1f: {  	_ = 	snop  }
0x20: {  	[tilespmem:s19], [sflag:$0x2] =	stream.strided.gather [hbm4b:s2+s15], $0x1400, s16, s15, $0x38;
	[tilespmem:$0x16900] =	vst v63  }
0x21: {  	s13 =	sadd.s32 $0x0, s12  }
0x22: {  	[tilespmem:s20], [sflag:$0x2] =	stream.linear.gather [hbm4b:s13+s4], $0x28, $0x38;
	[tilespmem:$0x16900] =	vst v63  }
0x23: {  	_ =	swait.ge [sflag:s21], $0x1400  }
0x24: {  	[sflag:s21] =	ssyncset.done $0x0  }
0x25: {  	[sflag:s21] =	ssyncadd.s32 $0xFFFFEC00  }
0x26: {  	_ =	swait.ge [sflag:s21], $0x28  }
0x27: {  	s26 =	sshrl.u32 s1, $0x3;
	[sflag:s21] =	ssyncset.done $0x0  }
0x28: {  	s13 =	smul.u32 $0xC00, s26;
	[sflag:s21] =	ssyncadd.s32 $0xFFFFFFD8  }
0x29: {  	[spmem:s3] =	stream.indirect.scatter.add.f32 [tilespmem:s17], [sflag:$0x3], $0x80, s18, s22, $0xb8;
	[tilespmem:$0x16900] =	vst v63  }
0x2a: {  	s13 =	sshrl.u32 s13, $0x3;
	_ =	swait.ge [sflag:s23], $0x1400  }
0x2b: {  	s13 =	sadd.s32 s5, s13;
	[sflag:s23] =	ssyncset.done $0x0  }
0x2c: {  	s13 =	sadd.s32 $0x100, s13;
	[sflag:s23] =	ssyncadd.s32 $0xFFFFEC00  }
0x2d: {  	[tilespmem:s17], [sflag:$0x1] =	stream.strided.gather [hbm4b:s13+s15], $0x1400, s16, s15, $0x38;
	[tilespmem:$0x16900] =	vst v63  }
0x2e: {  	s11 =	sadd.s32 s6, s26  }
0x2f: {  	[tilespmem:s18], [sflag:$0x1] =	stream.linear.gather [hbm4b:s11+s4], $0x28, $0x38;
	[tilespmem:$0x16900] =	vst v63  }
0x30: {  	_ =	swait.ge [sflag:s24], $0x1400  }
0x31: {  	[sflag:s24] =	ssyncset.done $0x0  }
0x32: {  	[sflag:s24] =	ssyncadd.s32 $0xFFFFEC00  }
0x33: {  	_ =	swait.ge [sflag:s24], $0x28  }
0x34: {  	[sflag:s24] =	ssyncset.done $0x0  }
0x35: {  	[sflag:s24] =	ssyncadd.s32 $0xFFFFFFD8  }
0x36: {  	[spmem:s3] =	stream.indirect.scatter.add.f32 [tilespmem:s19], [sflag:$0x3], $0x80, s20, s22, $0xb8;
	[tilespmem:$0x16900] =	vst v63  }
0x37: {  	s31 =	simm.s32 $0xA;
	_ =	swait.ge [sflag:s23], $0x1400  }
0x38: {  	s13 =	smov.u32 s2;
	s11 =	smov.u32 s1;
	[sflag:s23] =	ssyncset.done $0x0  }
.LBB2_2:
0x39: {  	[sflag:s23] =	ssyncadd.s32 $0xFFFFEC00;
	s11 =	sadd.s32 $0x50, s11;
	s13 =	sadd.s32 $0xF00, s13  }
0x3a: {  	[tilespmem:s19], [sflag:$0x2] =	stream.strided.gather [hbm4b:s13+s15], $0x1400, s16, s15, $0x38;
	[tilespmem:$0x16900] =	vst v63  }
0x3b: {  	s0 =	sadd.s32 s31, s12;
	p1 =	sne.s32 s31, $0x262;
	s31 =	sadd.s32 $0xA, s31  }
0x3c: {  	[tilespmem:s20], [sflag:$0x2] =	stream.linear.gather [hbm4b:s0+s4], $0x28, $0x38;
	[tilespmem:$0x16900] =	vst v63  }
0x3d: {  	_ =	swait.ge [sflag:s21], $0x1400  }
0x3e: {  	[sflag:s21] =	ssyncset.done $0x0  }
0x3f: {  	[sflag:s21] =	ssyncadd.s32 $0xFFFFEC00  }
0x40: {  	_ =	swait.ge [sflag:s21], $0x28  }
0x41: {  	s0 =	sshrl.u32 s11, $0x3;
	[sflag:s21] =	ssyncset.done $0x0  }
0x42: {  	s26 =	smul.u32 $0xC00, s0;
	[sflag:s21] =	ssyncadd.s32 $0xFFFFFFD8  }
0x43: {  	[spmem:s3] =	stream.indirect.scatter.add.f32 [tilespmem:s17], [sflag:$0x3], $0x80, s18, s22, $0xb8;
	[tilespmem:$0x16900] =	vst v63  }
0x44: {  	s26 =	sshrl.u32 s26, $0x3;
	_ =	swait.ge [sflag:s23], $0x1400  }
0x45: {  	s26 =	sadd.s32 s5, s26;
	[sflag:s23] =	ssyncset.done $0x0  }
0x46: {  	s26 =	sadd.s32 $0x100, s26;
	[sflag:s23] =	ssyncadd.s32 $0xFFFFEC00  }
0x47: {  	[tilespmem:s17], [sflag:$0x1] =	stream.strided.gather [hbm4b:s26+s15], $0x1400, s16, s15, $0x38;
	[tilespmem:$0x16900] =	vst v63  }
0x48: {  	s0 =	sadd.s32 s6, s0  }
0x49: {  	[tilespmem:s18], [sflag:$0x1] =	stream.linear.gather [hbm4b:s0+s4], $0x28, $0x38;
	[tilespmem:$0x16900] =	vst v63  }
0x4a: {  	_ =	swait.ge [sflag:s24], $0x1400  }
0x4b: {  	[sflag:s24] =	ssyncset.done $0x0  }
0x4c: {  	[sflag:s24] =	ssyncadd.s32 $0xFFFFEC00  }
0x4d: {  	_ =	swait.ge [sflag:s24], $0x28  }
.Ltmp0:
0x4e: {  	[sflag:s24] =	ssyncset.done $0x0;
	(pc) =	sbr.rel @p1 .LBB2_2-.Ltmp0, $4  }
0x4f: {  	[sflag:s24] =	ssyncadd.s32 $0xFFFFFFD8  }
0x50: {  	[spmem:s3] =	stream.indirect.scatter.add.f32 [tilespmem:s19], [sflag:$0x3], $0x80, s20, s22, $0xb8;
	[tilespmem:$0x16900] =	vst v63  }
0x51: {  	_ =	swait.ge [sflag:s23], $0x1400  }
0x52: {  	[sflag:s23] =	ssyncset.done $0x0  }
0x53: {  	[sflag:s23] =	ssyncadd.s32 $0xFFFFEC00  }
0x54: {  	_ =	swait.ge [sflag:s21], $0x1400  }
0x55: {  	[sflag:s21] =	ssyncset.done $0x0  }
0x56: {  	[sflag:s21] =	ssyncadd.s32 $0xFFFFEC00  }
0x57: {  	_ =	swait.ge [sflag:s21], $0x28  }
0x58: {  	[sflag:s21] =	ssyncset.done $0x0  }
0x59: {  	[sflag:s21] =	ssyncadd.s32 $0xFFFFFFD8  }
0x5a: {  	[spmem:s3] =	stream.indirect.scatter.add.f32 [tilespmem:s17], [sflag:$0x3], $0x80, s18, s22, $0xb8;
	[tilespmem:$0x16900] =	vst v63  }
0x5b: {  	s0 =	stileid.u32;
	_ =	swait.ge [sflag:s23], $0x1400  }
0x5c: {  	s11 =	simm.s32 $0x8;
	s30 =	sadd.s32 $0x1, s30;
	[sflag:s23] =	ssyncset.done $0x0  }
0x5d: {  	s0 =	sshll.u32 s0, $0x6;
	p1 =	sne.s32 s30, s10;
	[sflag:s23] =	ssyncadd.s32 $0xFFFFEC00  }
.Ltmp1:
0x5e: {  	s0 =	sor.u32 $0x1C03, s0;
	[bflag:$0x0] =	sbarrier.arrive $0xFFFF;
	(pc) =	sbr.rel @p1 .LBB2_1-.Ltmp1, $4  }
0x5f: {  	[hbm:s9@s28], [sflag:s0] =	dma.strided [spmem:s25@s29], $0x2800, s11, $0x10   }
0x60: {  	_ =	swait.ge [sflag:s23], $0x2800  }
0x61: {  	[sflag:s23] =	ssyncset.done $0x0  }
0x62: {  	[sflag:s23] =	ssyncadd.s32 $0xFFFFD800  }
0x63: {  	_ =	sfence.sel $0x180000  }
0x64: {  	[bflag:$0x0] =	sbarrier.arrive $0xFFFF  }
0x65: {  	_ =	strace $0x9000004A  }
0x66: {  	[bflag:$0x2] =	sbarrier.arrive $0xFFFF  }
0x67: {  	s0 =	rddreg [dreg:$0x3]  }
0x68: {  	s0 =	sadd.s32 @!p0 $0x100000, s0  }
0x69: {  	[sflag:s0] =	ssyncadd.tile.s32 @!p0 $0x1;
	_ =	shalt  }
.Lfunc_end2:
_tile_overlayer_lowered:
.L_overlay_start_2:
0x6a: {  	(tag) =	ssettag $0x2  }
0x6b: {  	s0 =	rddreg [dreg:$0x0];
	s2 =	stileid.u32  }
0x6c: {  	s1 =	rddreg [dreg:$0x1];
	p0 =	sne.s32 s2, $0x0  }
0x6d: {  	s3 =	rddreg [dreg:$0x2];
	[bflag:$0x3] =	sbarrier.arrive $0xFFFF;
	s2 =	simm.s32 @!p0 $0x1C03  }
0x6e: {  	[timem:s3], [sflag:s2] =	dma.local @!p0 [hbm:s0], s1  }
0x6f: {  	s0 =	simm.s32 @!p0 $0x3  }
0x70: {  	_ =	swait.ge @!p0 [sflag:s0], s1  }
0x71: {  	s1 =	ssub.s32 @!p0 $0x0, s1;
	[sflag:s0] =	ssyncset.done @!p0 $0x0  }
0x72: {  	[sflag:s0] =	ssyncadd.s32 @!p0 s1  }
0x73: {  	[bflag:$0x3] =	sbarrier.arrive $0xFFFF  }
0x74: {  	_ =	shalt  }

// kernel: kernel.8.cloned.1.call-start
scs
__scs_entry_jumppad:
0x0: {  	(pc) =	sbr.rel $0x88, $3  }
0x1: {  	(tag) =	ssettag $0x0;
	lr =	simm.s32 $0x1  }
0x2: {  	[smem:$0x3F93] =	sst lr;
	_ =	strace $0xD0000000  }
0x3: {  	_ = 	snop  }
0x4: {  	_ = 	snop  }
0x5: {  	_ = 	snop  }
0x6: {  	_ = 	snop  }
0x7: {  	_ = 	snop  }
__scs_overlays_trampoline_lowered:
0x8: {  	[smem:$0x3FA2] =	sst s0  }
0x9: {  	[smem:$0x3FA3] =	sst s1  }
0xa: {  	[smem:$0x3FA4] =	sst s2  }
0xb: {  	[smem:$0x3FA5] =	sst s3  }
0xc: {  	[smem:$0x3FA6] =	sst s4  }
0xd: {  	[smem:$0x3FA7] =	sst s5  }
0xe: {  	[smem:$0x3FA8] =	sst s6  }
0xf: {  	[smem:$0x3FA9] =	sst s7  }
0x10: {  	[smem:$0x3FAA] =	sst s8  }
0x11: {  	[smem:$0x3FAB] =	sst s9;
	s0 =	simm.s32 @!p0 $0x0  }
0x12: {  	s1 =	sld [smem:$0x3F91];
	s0 =	simm.s32 @p0 $0x1  }
0x13: {  	[smem:$0x3FAC] =	sst s0;
	s0 =	simm.s32 @!p1 $0x0  }
0x14: {  	s2 =	sld [smem:$0x3F90];
	s0 =	simm.s32 @p1 $0x1  }
0x15: {  	[smem:$0x3FAD] =	sst s0;
	s0 =	simm.s32 @!p2 $0x0  }
0x16: {  	s3 =	sld [smem:$0x3FDB];
	s0 =	simm.s32 @p2 $0x1  }
0x17: {  	s4 =	simm.s32 $0x1BF5;
	[smem:$0x3FAF] =	sst s0  }
0x18: {  	s0 =	sld [smem:$0x3F92];
	_ =	swait.ge [sflag:s4], $0x0  }
0x19: {  	s7 =	sld [smem:$0x3F93]  }
0x1a: {  	s8 =	sadd.s32 $0xFFFFE003, lr  }
0x1b: {  	s9 =	sadd.s32 $0xFFFFFEF7, lr;
	s5 =	simm.s32 $0xFFFFFFFF;
	p2 =	slt.u32 s8, $0xFFFFF086  }
0x1c: {  	p1 =	slt.u32 s9, $0xF7A;
	s5 =	simm.s32 @!p2 $0x0  }
0x1d: {  	s5 =	simm.s32 @p1 $0x1;
	p0 =	seq.s32 s7, s2  }
0x1e: {  	s7 =	smul.u32 @!p0 $0xF7A, s2;
	p2 =	seq.s32 @!p0 s5, $0x0  }
0x1f: {  	s9 =	smul.u32 $0xF7A, s1;
	s8 =	simm.s32 @!p0 $0x1BF5;
	p2 =	por !p2, p0  }
0x20: {  	[sflag:s8] =	ssyncset.s32 @!p0 $0xFFFFF086;
	s6 =	sadd.s32 @!p0 s3, s7;
	s7 =	simm.s32 @!p0 $0x108  }
0x21: {  	s3 =	sadd.s32 s3, s9;
	s6 =	sadd.s32 @!p0 $0x88, s6;
	s7 =	simm.s32 @p2 $0x1082  }
0x22: {  	[simem:s7], [sflag:s8] =	dma.local @!p0 [hbm:s6], $0xF7A  }
0x23: {  	s9 =	sor.u32 $0xD0000000, s2;
	s6 =	simm.s32 $0x108;
	_ =	swait.ge @!p0 [sflag:s8], $0x0  }
0x24: {  	s3 =	sadd.s32 $0x88, s3;
	s6 =	simm.s32 @!p1 $0x1082;
	[sflag:s4] =	ssyncset.s32 $0xFFFFF086  }
0x25: {  	[simem:s6], [sflag:s4] =	dma.local [hbm:s3], $0xF7A  }
0x26: {  	[smem:$0x3F93] =	sst s1;
	(tag) =	ssettag s2;
	_ =	strace s9  }
0x27: {  	s1 =	sld [smem:$0x3FA3]  }
0x28: {  	s2 =	sld [smem:$0x3FA4]  }
0x29: {  	s4 =	sld [smem:$0x3FA6]  }
0x2a: {  	p0 =	seq.s32 s5, $0x0;
	s5 =	sld [smem:$0x3FA7]  }
0x2b: {  	s6 =	sld [smem:$0x3FA8]  }
0x2c: {  	s7 =	sld [smem:$0x3FA9]  }
0x2d: {  	s3 =	simm.s32 $0x108;
	s8 =	sld [smem:$0x3FAA]  }
0x2e: {  	s3 =	simm.s32 @!p0 $0x1082;
	s9 =	sld [smem:$0x3FAB]  }
0x2f: {  	lr =	sadd.s32 s0, s3;
	s0 =	sld [smem:$0x3FA2]  }
0x30: {  	s3 =	sld [smem:$0x3FA5]  }
0x31: {  	[smem:$0x3FAE] =	sst s10  }
0x32: {  	s10 =	sld [smem:$0x3FAC];
	_ =	sdelay $0x3  }
0x33: {  	p0 =	seq.s32 s10, $0x1;
	s10 =	sld [smem:$0x3FAE];
	_ =	sdelay $0x3  }
0x34: {  	[smem:$0x3FAE] =	sst s10  }
0x35: {  	s10 =	sld [smem:$0x3FAD];
	_ =	sdelay $0x3  }
0x36: {  	p1 =	seq.s32 s10, $0x1;
	s10 =	sld [smem:$0x3FAE];
	_ =	sdelay $0x3  }
0x37: {  	[smem:$0x3FAE] =	sst s10  }
0x38: {  	s10 =	sld [smem:$0x3FAF]  }
0x39: {  	_ = 	snop;
	(pc) =	sbr.ind lr, $3  }
0x3a: {  	_ = 	snop  }
0x3b: {  	_ = 	snop  }
0x3c: {  	p2 =	seq.s32 s10, $0x1;
	s10 =	sld [smem:$0x3FAE]  }
0x3d: {  	_ =	shalt  }
0x3e: {  	_ =	shalt  }
0x3f: {  	_ =	shalt  }
0x40: {  	_ =	shalt  }
0x41: {  	_ =	shalt  }
0x42: {  	_ =	shalt  }
0x43: {  	_ =	shalt  }
0x44: {  	_ =	shalt  }
0x45: {  	_ =	shalt  }
0x46: {  	_ =	shalt  }
0x47: {  	_ =	shalt  }
0x48: {  	_ =	shalt  }
0x49: {  	_ =	shalt  }
0x4a: {  	_ =	shalt  }
0x4b: {  	_ =	shalt  }
0x4c: {  	_ =	shalt  }
0x4d: {  	_ =	shalt  }
0x4e: {  	_ =	shalt  }
0x4f: {  	_ =	shalt  }
0x50: {  	_ =	shalt  }
0x51: {  	_ =	shalt  }
0x52: {  	_ =	shalt  }
0x53: {  	_ =	shalt  }
0x54: {  	_ =	shalt  }
0x55: {  	_ =	shalt  }
0x56: {  	_ =	shalt  }
0x57: {  	_ =	shalt  }
0x58: {  	_ =	shalt  }
0x59: {  	_ =	shalt  }
0x5a: {  	_ =	shalt  }
0x5b: {  	_ =	shalt  }
0x5c: {  	_ =	shalt  }
0x5d: {  	_ =	shalt  }
0x5e: {  	_ =	shalt  }
0x5f: {  	_ =	shalt  }
0x60: {  	_ =	shalt  }
0x61: {  	_ =	shalt  }
0x62: {  	_ =	shalt  }
0x63: {  	_ =	shalt  }
0x64: {  	_ =	shalt  }
0x65: {  	_ =	shalt  }
0x66: {  	_ =	shalt  }
0x67: {  	_ =	shalt  }
0x68: {  	_ =	shalt  }
0x69: {  	_ =	shalt  }
0x6a: {  	_ =	shalt  }
0x6b: {  	_ =	shalt  }
0x6c: {  	_ =	shalt  }
0x6d: {  	_ =	shalt  }
0x6e: {  	_ =	shalt  }
0x6f: {  	_ =	shalt  }
0x70: {  	_ =	shalt  }
0x71: {  	_ =	shalt  }
0x72: {  	_ =	shalt  }
0x73: {  	_ =	shalt  }
0x74: {  	_ =	shalt  }
0x75: {  	_ =	shalt  }
0x76: {  	_ =	shalt  }
0x77: {  	_ =	shalt  }
0x78: {  	_ =	shalt  }
0x79: {  	_ =	shalt  }
0x7a: {  	_ =	shalt  }
0x7b: {  	_ =	shalt  }
0x7c: {  	_ =	shalt  }
0x7d: {  	_ =	shalt  }
0x7e: {  	_ =	shalt  }
0x7f: {  	_ =	shalt  }
0x80: {  	_ =	shalt  }
0x81: {  	_ =	shalt  }
0x82: {  	_ =	shalt  }
0x83: {  	_ =	shalt  }
0x84: {  	_ =	shalt  }
0x85: {  	_ =	shalt  }
0x86: {  	_ =	shalt  }
0x87: {  	_ =	shalt  }
.Lfunc_end0:
.L_simem_size_0:
called_computation_lowered:
.L_overlay_start_0:
0x88: {  	s2 =	sld [smem:$0x3FD9]  }
0x89: {  	s3 =	sld [smem:$0x3FFE];
	_ =	sdelay $0x1  }
0x8a: {  	s1 =	srdreg.scid  }
0x8b: {  	s0 =	sand.u32 $0x1, s1  }
0x8c: {  	s17 =	sshll.u32 s0, $0xA;
	s2 =	sadd.s32 s3, s2  }
0x8d: {  	s2 =	sadd.s32 s2, s17  }
0x8e: {  	[smem:$0x3FBA] =	sst s2  }
0x8f: {  	_ = 	snop  }
0x90: {  	s2 =	sld [smem:$0x3FD0];
	(tm) =	ssettm $0x1  }
0x91: {  	s18 =	sld [smem:$0x3FFB];
	_ =	sdelay $0x3  }
0x92: {  	_ =	strace s18  }
0x93: {  	s3 =	sld [smem:$0x3FFC];
	_ =	sdelay $0x3  }
0x94: {  	_ =	strace s3  }
0x95: {  	s3 =	sld [smem:$0x3FFD];
	_ =	sdelay $0x3  }
0x96: {  	_ =	strace s3  }
0x97: {  	_ =	strace $0x8FFFFFFF  }
0x98: {  	s19 =	sld [smem:$0x3FDB];
	_ =	sdelay $0x1  }
0x99: {  	s4 =	simm.s32 $_scs_section_size  }
0x9a: {  	s5 =	simm.s32 $_size__tile_overlayer_lowered;
	s6 =	simm.s32 $_tile_overlayer_lowered  }
0x9b: {  	s22 =	simm.s32 $0x1BFF;
	s21 =	sshll.u32 s6, $0x1;
	s3 =	sadd.s32 s4, s19  }
0x9c: {  	s7 =	simm.s32 $0x0;
	s20 =	sshll.u32 s5, $0x1;
	s5 =	sadd.s32 s21, s3  }
0x9d: {  	[timem:s7], [sflag:s22] =	dma.local [hbm:s5], s20  }
0x9e: {  	_ =	swait.ge [sflag:s22], s20  }
0x9f: {  	s4 =	ssub.s32 $0x0, s20;
	[sflag:s22] =	ssyncset.done $0x0  }
0xa0: {  	[sflag:s22] =	ssyncadd.s32 s4;
	_ =	sdelay $0x1  }
0xa1: {  	s23 =	simm.s32 $0x1B8B  }
0xa2: {  	_ =	swait.ge [sflag:s23], $0x1  }
0xa3: {  	[sflag:s23] =	ssyncset.done $0x0  }
0xa4: {  	s25 =	simm.s32 $0x1B8E;
	s24 =	sld [smem:$0x3FFE];
	[sflag:s23] =	ssyncadd.s32 $0xFFFFFFFF  }
0xa5: {  	s26 =	simm.s32 $execute0_lowered;
	[smem:$0x3FD2] =	sst s25  }
0xa6: {  	s5 =	sshll.u32 s26, $0x1;
	_ =	strace $0x80000046;
	[dreg:$0x1] =	wrdreg $0xFFFFFFFF  }
0xa7: {  	s28 =	simm.s32 $_size_execute0_lowered;
	s3 =	sadd.s32 s3, s5;
	[dreg:$0x0] =	wrdreg $0x0  }
0xa8: {  	s5 =	sshll.u32 s28, $0x1;
	[dreg:$0x2] =	wrdreg s3  }
0xa9: {  	[dreg:$0x3] =	wrdreg s5  }
0xaa: {  	[dreg:$0x4] =	wrdreg $0xC0  }
0xab: {  	_ =	task [dreg:s7], $0x5FFFF  }
0xac: {  	[dreg:$0x1] =	wrdreg $0xFFFFFFFF  }
0xad: {  	[dreg:$0x0] =	wrdreg $0x60  }
0xae: {  	[dreg:$0x2] =	wrdreg s2  }
0xaf: {  	[dreg:$0x3] =	wrdreg s24  }
0xb0: {  	[dreg:$0x4] =	wrdreg $0x9  }
0xb1: {  	_ =	task.clear_ibuf [dreg:s7], $0x5FFFF;
	_ =	strace $0x90000046  }
0xb2: {  	s29 =	simm.s32 $0x9;
	_ =	strace $0x80000048  }
0xb3: {  	_ =	swait.ge [sflag:s29], $0x1  }
0xb4: {  	[sflag:s29] =	ssyncadd.s32 $0xFFFFFFFF  }
0xb5: {  	_ =	strace $0x90000048  }
0xb6: {  	_ =	sfence  }
0xb7: {  	s30 =	sld [smem:$0x0];
	_ =	sdelay $0x2  }
0xb8: {  	s31 =	sshll.u32 s1, $0xD;
	s1 =	sshrl.u32 s1, $0x2  }
0xb9: {  	s3 =	sand.u32 $0x4000, s31;
	s1 =	sadd.s32 s1, s30  }
0xba: {  	s0 =	sor.u32 s3, s0;
	s1 =	sshll.u32 s1, $0x11  }
0xbb: {  	s0 =	sor.u32 s1, s0  }
0xbc: {  	s0 =	sadd.s32 $0x8F2B, s0  }
0xbd: {  	[sflag:s0] =	ssyncadd.remote.s32 $0x1  }
0xbe: {  	_ =	sfence.sel $0xFFFF  }
0xbf: {  	[dreg:$0x0] =	wrdreg $0xFFFFFFFF;
	(pc) =	sbr.abs _section_cstart, $3  }
0xc0: {  	[dreg:$0x1] =	wrdreg $0xFFFFFFFF  }
0xc1: {  	_ =	task.clear_ibuf [dreg:s7], $0x2FFFF;
	_ =	strace $0x9FFFFFFF  }
0xc2: {  	(tm) =	ssettm $0x7FFFFFFF  }
0xc3: {  	_ =	shalt  }
tec
execute0_lowered:
.L_overlay_start_1:
0x0: {  	(tag) =	ssettag $0x1  }
0x1: {  	s2 =	rddreg [dreg:$0x0]  }
0x2: {  	s0 =	rddreg [dreg:$0x1];
	s3 =	simm.s32 $0x0  }
0x3: {  	s5 =	stileid.u32;
	s28 =	srdreg.scid;
	s16 =	simm.s32 $0x5  }
0x4: {  	s17 =	simm.s32 $0xA900;
	s18 =	simm.s32 $0x80;
	s19 =	simm.s32 $0x2800  }
0x5: {  	s20 =	simm.s32 $0x1;
	s21 =	simm.s32 $0x6800;
	s22 =	simm.s32 $0xA800  }
0x6: {  	s23 =	simm.s32 $0x2;
	s24 =	simm.s32 $0x3;
	s25 =	simm.s32 $0xA880  }
0x7: {  	s26 =	simm.s32 $0x4;
	s30 =	simm.s32 $0x0;
	s1 =	smul.u32 $0x2800, s5  }
0x8: {  	[smem:$0x7FF] =	sst s3;
	s4 =	sadd.s32 $0x2C00, s0;
	s8 =	smul.u32 $0x28000, s5  }
0x9: {  	s6 =	sadd.s32 $0x29E00, s0;
	s7 =	smul.u32 $0x500, s5;
	s10 =	sadd.s32 $0x3E400, s0  }
0xa: {  	s11 =	smul.u32 $0x140000, s5;
	_ =	strace $0x80000047;
	[dreg:$0x3] =	wrdreg s6  }
0xb: {  	s6 =	sand.u32 $0x1, s28;
	s1 =	sshrl.u32 s1, $0x3;
	s14 =	sadd.s32 s8, s0  }
0xc: {  	s9 =	ssub.s32 $0x2, s6;
	p0 =	seq.s32 s6, $0x1;
	s31 =	sshrl.u32 s11, $0x3  }
.Ltmp0:
0xd: {  	s8 =	sadd.s32 s8, s10;
	s1 =	sadd.s32 s1, s0;
	(pc) =	sbr.rel .LBB2_1-.Ltmp0, $4  }
0xe: {  	s0 =	sadd.s32 s7, s0;
	s29 =	sshrl.u32 s9, $0x1;
	s10 =	sadd.s32 s10, s31  }
0xf: {  	s11 =	sadd.s32 $0x800, s8;
	s13 =	sadd.s32 $0x27800, s8;
	s9 =	ssub.s32 s9, s29  }
0x10: {  	s6 =	sadd.s32 $0x34400, s1;
	s7 =	sadd.s32 $0x2F400, s1;
	s12 =	sadd.s32 $0x27000, s10  }
0x11: {  	s1 =	sadd.s32 $0x2BEC00, s14;
	s0 =	sadd.s32 $0x39410, s0;
	s9 =	smax.u32 s9, $0x1  }
.LBB2_4:
0x12: {  	[hbm4b:s28+s3] =	stream.linear.scatter [tilespmem:s21], [sflag:$0x4], $0x4000, $0x38;
	[tilespmem:$0xD080] =	vst v63  }
0x13: {  	_ =	swait.ge [sflag:s20], $0x4000  }
0x14: {  	[sflag:s20] =	ssyncset.done $0x0  }
0x15: {  	[sflag:s20] =	ssyncadd.s32 $0xFFFFC000  }
0x16: {  	_ =	swait.ge [sflag:s26], $0x4000  }
0x17: {  	[sflag:s26] =	ssyncset.done $0x0  }
0x18: {  	s5 =	simm.s32 $0x2780;
	[sflag:s26] =	ssyncadd.s32 $0xFFFFC000  }
0x19: {  	[tilespmem:s21], [sflag:$0x2] =	stream.indirect.gather [hbm4b:s2+s18], $0x80, s5, s18, $0xb8;
	[tilespmem:$0xD080] =	vst v63  }
0x1a: {  	_ = 	snop  }
0x1b: {  	[hbm4b:s12+s3] =	stream.linear.scatter [tilespmem:s19], [sflag:$0x3], $0x4000, $0x38;
	[tilespmem:$0xD080] =	vst v63  }
0x1c: {  	_ =	swait.ge [sflag:s23], $0x4000  }
0x1d: {  	[sflag:s23] =	ssyncset.done $0x0  }
0x1e: {  	[sflag:s23] =	ssyncadd.s32 $0xFFFFC000  }
0x1f: {  	_ =	swait.ge [sflag:s24], $0x4000  }
0x20: {  	[sflag:s24] =	ssyncset.done $0x0  }
0x21: {  	[sflag:s24] =	ssyncadd.s32 $0xFFFFC000  }
0x22: {  	[hbm4b:s13+s3] =	stream.linear.scatter [tilespmem:s21], [sflag:$0x4], $0x4000, $0x38;
	[tilespmem:$0xD080] =	vst v63  }
0x23: {  	_ =	swait.ge [sflag:s26], $0x4000  }
0x24: {  	[sflag:s26] =	ssyncset.done $0x0  }
0x25: {  	[sflag:s26] =	ssyncadd.s32 $0xFFFFC000  }
.LBB2_8:
0x26: {  	s30 =	sadd.s32 $0x1, s30  }
0x27: {  	p1 =	sne.s32 s30, s9  }
.Ltmp1:
0x28: {  	_ = 	snop;
	(pc) =	sbr.rel @!p1 .LBB2_9-.Ltmp1, $1  }
0x29: {  	_ =	sdelay $0x3  }
.LBB2_1:
.Ltmp2:
0x2a: {  	(pc) =	sbr.rel @!p0 .LBB2_2-.Ltmp2, $1  }
0x2b: {  	_ =	sdelay $0x3  }
0x2c: {  	s31 =	simm.s32 $0x0  }
0x2d: {  	[tilespmem:s31], [sflag:$0x5] =	stream.linear.gather [hbm4b:s7+s31], $0x2800, $0x38;
	[tilespmem:$0xD080] =	vst v63  }
0x2e: {  	_ =	swait.ge [sflag:s16], $0x2800  }
0x2f: {  	[sflag:s16] =	ssyncset.done $0x0  }
0x30: {  	s5 =	rddreg [dreg:$0x3];
	[sflag:s16] =	ssyncadd.s32 $0xFFFFD800  }
0x31: {  	[tilespmem:s17], [sflag:$0x5] =	stream.linear.gather [hbm4b:s5+s31], $0x2780, $0x38;
	[tilespmem:$0xD080] =	vst v63  }
0x32: {  	_ =	swait.ge [sflag:s16], $0x2780  }
0x33: {  	[sflag:s16] =	ssyncset.done $0x0  }
0x34: {  	s15 =	smov.u32 s0;
	s14 =	smov.u32 s1;
	[sflag:s16] =	ssyncadd.s32 $0xFFFFD880  }
0x35: {  	[tilespmem:s19], [sflag:$0x1] =	stream.indirect.gather [hbm4b:s4+s18], $0x80, s31, s18, $0xb8;
	[tilespmem:$0xD080] =	vst v63  }
.LBB2_6:
0x36: {  	_ =	swait.ge [sflag:s20], $0x4000  }
0x37: {  	[sflag:s20] =	ssyncset.done $0x0  }
0x38: {  	s28 =	sshra.s32 s31, $0x2;
	[sflag:s20] =	ssyncadd.s32 $0xFFFFC000  }
0x39: {  	v0 =	vld [tilespmem:s28+$0x0];
	_ =	sdelay $0x7  }
0x3a: {  	v0 =	vld.idx.msk [tilespmem:v0+s17+$0x0], $0xffff;
	_ =	sdelay $0x4  }
0x3b: {  	[tilespmem:$0xA800] =	vst v0  }
0x3c: {  	v0 =	vld [tilespmem:s28+$0x10];
	_ =	sdelay $0x7  }
0x3d: {  	v0 =	vld.idx.msk [tilespmem:v0+s17+$0x0], $0xffff;
	_ =	sdelay $0x4  }
0x3e: {  	[tilespmem:$0xA810] =	vst v0  }
0x3f: {  	v0 =	vld [tilespmem:s28+$0x20];
	_ =	sdelay $0x7  }
0x40: {  	v0 =	vld.idx.msk [tilespmem:v0+s17+$0x0], $0xffff;
	_ =	sdelay $0x4  }
0x41: {  	[tilespmem:$0xA820] =	vst v0  }
0x42: {  	v0 =	vld [tilespmem:s28+$0x30];
	_ =	sdelay $0x7  }
0x43: {  	v0 =	vld.idx.msk [tilespmem:v0+s17+$0x0], $0xffff;
	_ =	sdelay $0x4  }
0x44: {  	[tilespmem:$0xA830] =	vst v0  }
0x45: {  	v0 =	vld [tilespmem:s28+$0x40];
	_ =	sdelay $0x7  }
0x46: {  	v0 =	vld.idx.msk [tilespmem:v0+s17+$0x0], $0xffff;
	_ =	sdelay $0x4  }
0x47: {  	[tilespmem:$0xA840] =	vst v0  }
0x48: {  	v0 =	vld [tilespmem:s28+$0x50];
	_ =	sdelay $0x7  }
0x49: {  	v0 =	vld.idx.msk [tilespmem:v0+s17+$0x0], $0xffff;
	_ =	sdelay $0x4  }
0x4a: {  	[tilespmem:$0xA850] =	vst v0  }
0x4b: {  	v0 =	vld [tilespmem:s28+$0x60];
	_ =	sdelay $0x7  }
0x4c: {  	v0 =	vld.idx.msk [tilespmem:v0+s17+$0x0], $0xffff;
	_ =	sdelay $0x4  }
0x4d: {  	[tilespmem:$0xA860] =	vst v0  }
0x4e: {  	v0 =	vld [tilespmem:s28+$0x70];
	_ =	sdelay $0x7  }
0x4f: {  	v0 =	vld.idx.msk [tilespmem:v0+s17+$0x0], $0xffff;
	_ =	sdelay $0x3  }
0x50: {  	p1 =	seq.s32 s31, $0x0  }
0x51: {  	s29 =	simm.s32 @!p1 $0x4;
	[tilespmem:$0xA870] =	vst v0  }
0x52: {  	_ =	swait.ge @!p1 [sflag:s29], $0x4000  }
0x53: {  	[sflag:s29] =	ssyncset.done @!p1 $0x0  }
0x54: {  	[sflag:s29] =	ssyncadd.s32 @!p1 $0xFFFFC000  }
0x55: {  	_ =	swait.ge @!p1 [sflag:s29], $0x80  }
0x56: {  	[sflag:s29] =	ssyncset.done @!p1 $0x0  }
0x57: {  	s5 =	sadd.s32 $0x80, s28;
	[sflag:s29] =	ssyncadd.s32 @!p1 $0xFFFFFF80  }
0x58: {  	[tilespmem:s21], [sflag:$0x2] =	stream.indirect.gather [hbm4b:s4+s18], $0x80, s5, s18, $0xb8;
	[tilespmem:$0xD080] =	vst v63  }
0x59: {  	s5 =	sadd.s32 $0xFFFFF800, s14  }
0x5a: {  	[hbm4b:s5+s3] =	stream.linear.scatter [tilespmem:s19], [sflag:$0x3], $0x4000, $0x38;
	[tilespmem:$0xD080] =	vst v63  }
0x5b: {  	s5 =	sadd.s32 $0xFFFFFFF0, s15  }
0x5c: {  	[hbm4b:s5+s3] =	stream.linear.scatter [tilespmem:s22], [sflag:$0x3], $0x80, $0x38;
	[tilespmem:$0xD080] =	vst v63  }
0x5d: {  	_ =	swait.ge [sflag:s23], $0x4000  }
0x5e: {  	[sflag:s23] =	ssyncset.done $0x0  }
0x5f: {  	[sflag:s23] =	ssyncadd.s32 $0xFFFFC000  }
0x60: {  	v63 =	vld [tilespmem:s28+$0x80];
	_ =	sdelay $0x7  }
0x61: {  	v0 =	vld.idx.msk [tilespmem:v63+s17+$0x0], $0xffff;
	_ =	sdelay $0x4  }
0x62: {  	[tilespmem:$0xA880] =	vst v0  }
0x63: {  	v0 =	vld [tilespmem:s28+$0x90];
	_ =	sdelay $0x7  }
0x64: {  	v0 =	vld.idx.msk [tilespmem:v0+s17+$0x0], $0xffff;
	_ =	sdelay $0x4  }
0x65: {  	[tilespmem:$0xA890] =	vst v0  }
0x66: {  	v0 =	vld [tilespmem:s28+$0xA0];
	_ =	sdelay $0x7  }
0x67: {  	v0 =	vld.idx.msk [tilespmem:v0+s17+$0x0], $0xffff;
	_ =	sdelay $0x4  }
0x68: {  	[tilespmem:$0xA8A0] =	vst v0  }
0x69: {  	v0 =	vld [tilespmem:s28+$0xB0];
	_ =	sdelay $0x7  }
0x6a: {  	v0 =	vld.idx.msk [tilespmem:v0+s17+$0x0], $0xffff;
	_ =	sdelay $0x4  }
0x6b: {  	[tilespmem:$0xA8B0] =	vst v0  }
0x6c: {  	v0 =	vld [tilespmem:s28+$0xC0];
	_ =	sdelay $0x7  }
0x6d: {  	v0 =	vld.idx.msk [tilespmem:v0+s17+$0x0], $0xffff;
	_ =	sdelay $0x4  }
0x6e: {  	[tilespmem:$0xA8C0] =	vst v0  }
0x6f: {  	v0 =	vld [tilespmem:s28+$0xD0];
	_ =	sdelay $0x7  }
0x70: {  	v0 =	vld.idx.msk [tilespmem:v0+s17+$0x0], $0xffff;
	_ =	sdelay $0x4  }
0x71: {  	[tilespmem:$0xA8D0] =	vst v0  }
0x72: {  	v0 =	vld [tilespmem:s28+$0xE0];
	_ =	sdelay $0x7  }
0x73: {  	v0 =	vld.idx.msk [tilespmem:v0+s17+$0x0], $0xffff;
	_ =	sdelay $0x4  }
0x74: {  	[tilespmem:$0xA8E0] =	vst v0  }
0x75: {  	v0 =	vld [tilespmem:s28+$0xF0];
	_ =	sdelay $0x7  }
0x76: {  	v0 =	vld.idx.msk [tilespmem:v0+s17+$0x0], $0xffff;
	_ =	sdelay $0x4  }
0x77: {  	[tilespmem:$0xA8F0] =	vst v0  }
0x78: {  	_ =	swait.ge [sflag:s24], $0x4000  }
0x79: {  	[sflag:s24] =	ssyncset.done $0x0  }
0x7a: {  	p1 =	seq.s32 s31, $0x9C00;
	[sflag:s24] =	ssyncadd.s32 $0xFFFFC000  }
0x7b: {  	s29 =	simm.s32 @!p1 $0x80;
	_ =	swait.ge [sflag:s24], $0x80  }
0x7c: {  	s5 =	simm.s32 @!p1 $0x2800;
	s28 =	sshra.s32 @!p1 s31, $0x2;
	[sflag:s24] =	ssyncset.done $0x0  }
0x7d: {  	s31 =	sadd.s32 $0x400, s31;
	s28 =	sadd.s32 @!p1 $0x100, s28;
	[sflag:s24] =	ssyncadd.s32 $0xFFFFFF80  }
0x7e: {  	[tilespmem:s5], [sflag:$0x1] =	stream.indirect.gather @!p1 [hbm4b:s4+s29], $0x80, s28, s29, $0xb8;
	[tilespmem:$0xD080] =	vst v63  }
0x7f: {  	p1 =	sne.s32 s31, $0xA000  }
.Ltmp3:
0x80: {  	_ = 	snop;
	(pc) =	sbr.rel @p1 .LBB2_6-.Ltmp3, $4  }
0x81: {  	[hbm4b:s14+s3] =	stream.linear.scatter [tilespmem:s21], [sflag:$0x4], $0x4000, $0x38;
	[tilespmem:$0xD080] =	vst v63  }
0x82: {  	_ = 	snop  }
0x83: {  	[hbm4b:s15+s3] =	stream.linear.scatter [tilespmem:s25], [sflag:$0x4], $0x80, $0x38;
	[tilespmem:$0xD080] =	vst v63  }
0x84: {  	s14 =	sadd.s32 $0x1000, s14;
	s15 =	sadd.s32 $0x20, s15  }
0x85: {  	_ =	swait.ge [sflag:s26], $0x4000  }
.Ltmp4:
0x86: {  	[sflag:s26] =	ssyncset.done $0x0;
	(pc) =	sbr.rel .LBB2_8-.Ltmp4, $4  }
0x87: {  	[sflag:s26] =	ssyncadd.s32 $0xFFFFC000  }
0x88: {  	_ =	swait.ge [sflag:s26], $0x80  }
0x89: {  	[sflag:s26] =	ssyncset.done $0x0  }
0x8a: {  	[sflag:s26] =	ssyncadd.s32 $0xFFFFFF80  }
.LBB2_2:
0x8b: {  	[tilespmem:s3], [sflag:$0x5] =	stream.linear.gather [hbm4b:s6+s3], $0x2800, $0x38;
	[tilespmem:$0xD080] =	vst v63  }
0x8c: {  	_ =	swait.ge [sflag:s16], $0x2800  }
0x8d: {  	[sflag:s16] =	ssyncset.done $0x0  }
0x8e: {  	[sflag:s16] =	ssyncadd.s32 $0xFFFFD800  }
0x8f: {  	[tilespmem:s19], [sflag:$0x1] =	stream.indirect.gather [hbm4b:s2+s18], $0x80, s3, s18, $0xb8;
	[tilespmem:$0xD080] =	vst v63  }
0x90: {  	_ =	swait.ge [sflag:s20], $0x4000  }
0x91: {  	[sflag:s20] =	ssyncset.done $0x0  }
0x92: {  	[sflag:s20] =	ssyncadd.s32 $0xFFFFC000  }
0x93: {  	[tilespmem:s21], [sflag:$0x2] =	stream.indirect.gather [hbm4b:s2+s18], $0x80, s18, s18, $0xb8;
	[tilespmem:$0xD080] =	vst v63  }
0x94: {  	_ = 	snop  }
0x95: {  	[hbm4b:s10+s3] =	stream.linear.scatter [tilespmem:s19], [sflag:$0x3], $0x4000, $0x38;
	[tilespmem:$0xD080] =	vst v63  }
0x96: {  	_ =	swait.ge [sflag:s23], $0x4000  }
0x97: {  	[sflag:s23] =	ssyncset.done $0x0  }
0x98: {  	[sflag:s23] =	ssyncadd.s32 $0xFFFFC000  }
0x99: {  	_ =	swait.ge [sflag:s24], $0x4000  }
0x9a: {  	[sflag:s24] =	ssyncset.done $0x0  }
0x9b: {  	s5 =	simm.s32 $0x100;
	[sflag:s24] =	ssyncadd.s32 $0xFFFFC000  }
0x9c: {  	[tilespmem:s19], [sflag:$0x1] =	stream.indirect.gather [hbm4b:s2+s18], $0x80, s5, s18, $0xb8;
	[tilespmem:$0xD080] =	vst v63  }
0x9d: {  	_ = 	snop  }
0x9e: {  	[hbm4b:s11+s3] =	stream.linear.scatter [tilespmem:s21], [sflag:$0x4], $0x4000, $0x38;
	[tilespmem:$0xD080] =	vst v63  }
0x9f: {  	_ =	swait.ge [sflag:s20], $0x4000  }
0xa0: {  	[sflag:s20] =	ssyncset.done $0x0  }
0xa1: {  	[sflag:s20] =	ssyncadd.s32 $0xFFFFC000  }
0xa2: {  	_ =	swait.ge [sflag:s26], $0x4000  }
0xa3: {  	[sflag:s26] =	ssyncset.done $0x0  }
0xa4: {  	s14 =	simm.s32 $0x180;
	s15 =	sadd.s32 $0xFFFDA000, s8;
	[sflag:s26] =	ssyncadd.s32 $0xFFFFC000  }
0xa5: {  	[tilespmem:s21], [sflag:$0x2] =	stream.indirect.gather [hbm4b:s2+s18], $0x80, s14, s18, $0xb8;
	[tilespmem:$0xD080] =	vst v63  }
0xa6: {  	s29 =	sadd.s32 $0x27000, s15  }
0xa7: {  	[hbm4b:s29+s3] =	stream.linear.scatter [tilespmem:s19], [sflag:$0x3], $0x4000, $0x38;
	[tilespmem:$0xD080] =	vst v63  }
0xa8: {  	_ =	swait.ge [sflag:s23], $0x4000  }
0xa9: {  	[sflag:s23] =	ssyncset.done $0x0  }
0xaa: {  	[sflag:s23] =	ssyncadd.s32 $0xFFFFC000  }
0xab: {  	_ =	swait.ge [sflag:s24], $0x4000  }
0xac: {  	s31 =	simm.s32 $0x200;
	s28 =	sadd.s32 $0x27800, s15;
	[sflag:s24] =	ssyncset.done $0x0  }
0xad: {  	s15 =	simm.s32 $0x300;
	s14 =	simm.s32 $0xFFFDB000;
	[sflag:s24] =	ssyncadd.s32 $0xFFFFC000  }
0xae: {  	[tilespmem:s19], [sflag:$0x1] =	stream.indirect.gather [hbm4b:s2+s18], $0x80, s31, s18, $0xb8;
	[tilespmem:$0xD080] =	vst v63  }
.LBB2_3:
0xaf: {  	[hbm4b:s28+s3] =	stream.linear.scatter [tilespmem:s21], [sflag:$0x4], $0x4000, $0x38;
	[tilespmem:$0xD080] =	vst v63  }
0xb0: {  	s28 =	smov.u32 s14  }
0xb1: {  	p1 =	sne.s32 s14, $0xFFFFF000;
	s14 =	sadd.s32 $0x1000, s14;
	_ =	swait.ge [sflag:s20], $0x4000  }
0xb2: {  	[sflag:s20] =	ssyncset.done $0x0  }
0xb3: {  	[sflag:s20] =	ssyncadd.s32 $0xFFFFC000  }
0xb4: {  	_ =	swait.ge [sflag:s26], $0x4000  }
0xb5: {  	[sflag:s26] =	ssyncset.done $0x0  }
0xb6: {  	s31 =	sadd.s32 $0xFFFFFF80, s15;
	s28 =	sadd.s32 s28, s8;
	[sflag:s26] =	ssyncadd.s32 $0xFFFFC000  }
0xb7: {  	[tilespmem:s21], [sflag:$0x2] =	stream.indirect.gather [hbm4b:s2+s18], $0x80, s31, s18, $0xb8;
	[tilespmem:$0xD080] =	vst v63  }
0xb8: {  	s31 =	sadd.s32 $0x27000, s28  }
0xb9: {  	[hbm4b:s31+s3] =	stream.linear.scatter [tilespmem:s19], [sflag:$0x3], $0x4000, $0x38;
	[tilespmem:$0xD080] =	vst v63  }
0xba: {  	_ =	swait.ge [sflag:s23], $0x4000  }
0xbb: {  	[sflag:s23] =	ssyncset.done $0x0  }
0xbc: {  	[sflag:s23] =	ssyncadd.s32 $0xFFFFC000  }
.Ltmp5:
0xbd: {  	_ =	swait.ge [sflag:s24], $0x4000;
	(pc) =	sbr.rel @p1 .LBB2_3-.Ltmp5, $4  }
0xbe: {  	[sflag:s24] =	ssyncset.done $0x0  }
0xbf: {  	[sflag:s24] =	ssyncadd.s32 $0xFFFFC000  }
0xc0: {  	[tilespmem:s19], [sflag:$0x1] =	stream.indirect.gather [hbm4b:s2+s18], $0x80, s15, s18, $0xb8;
	[tilespmem:$0xD080] =	vst v63  }
0xc1: {  	s28 =	sadd.s32 $0x27800, s28;
	s15 =	sadd.s32 $0x100, s15  }
.Ltmp6:
0xc2: {  	_ = 	snop;
	(pc) =	sbr.rel .LBB2_4-.Ltmp6, $1  }
0xc3: {  	_ =	sdelay $0x3  }
.LBB2_9:
0xc4: {  	_ =	sfence.sel $0x180000  }
0xc5: {  	[bflag:$0x0] =	sbarrier.arrive $0xFFFF  }
0xc6: {  	_ =	strace $0x90000047  }
0xc7: {  	s0 =	stileid.u32;
	[bflag:$0x2] =	sbarrier.arrive $0xFFFF  }
0xc8: {  	p0 =	sne.s32 s0, $0x0;
	s0 =	rddreg [dreg:$0x2]  }
0xc9: {  	s0 =	sadd.s32 @!p0 $0x100000, s0  }
0xca: {  	[sflag:s0] =	ssyncadd.tile.s32 @!p0 $0x1;
	_ =	shalt  }
.Lfunc_end2:
_tile_overlayer_lowered:
.L_overlay_start_2:
0xcb: {  	(tag) =	ssettag $0x2  }
0xcc: {  	s0 =	rddreg [dreg:$0x0];
	s2 =	stileid.u32  }
0xcd: {  	s1 =	rddreg [dreg:$0x1];
	p0 =	sne.s32 s2, $0x0  }
0xce: {  	s3 =	rddreg [dreg:$0x2];
	[bflag:$0x3] =	sbarrier.arrive $0xFFFF;
	s2 =	simm.s32 @!p0 $0x1C05  }
0xcf: {  	[timem:s3], [sflag:s2] =	dma.local @!p0 [hbm:s0], s1  }
0xd0: {  	s0 =	simm.s32 @!p0 $0x5  }
0xd1: {  	_ =	swait.ge @!p0 [sflag:s0], s1  }
0xd2: {  	s1 =	ssub.s32 @!p0 $0x0, s1;
	[sflag:s0] =	ssyncset.done @!p0 $0x0  }
0xd3: {  	[sflag:s0] =	ssyncadd.s32 @!p0 s1  }
0xd4: {  	[bflag:$0x3] =	sbarrier.arrive $0xFFFF  }
0xd5: {  	_ =	shalt  }

</sc_bundles>
